<compile_context>
chip_gen: v7x
topology: tpu7x:2x2x1
jax: 0.10.2.dev20260603
libtpu: 0.0.44.dev20260713+nightly
codegen_flags: <defaults>
</compile_context>

<pallas_src>
import jax
import jax.numpy as jnp
from jax import lax
from jax.experimental import pallas as pl
from jax.experimental.pallas import tpu as pltpu
from jax.experimental.pallas import tpu_sc as plsc

EMBED = 1024
B, S = 4, 8192
TOKENS = B * S
NUM_CORES = 2
NUM_SUBCORES = 16
NSLICE = 8
CW = EMBED // NSLICE
NGRP = NUM_CORES * NUM_SUBCORES // NSLICE
TPT = TOKENS // NGRP
CHT = 128
NCHK = TPT // CHT


def _table_idx_body(tok_ref, mask_ref, w_ref, b_ref, emb_ref, table_ref, idx_ref):
    t2 = lax.broadcasted_iota(jnp.int32, (512, 8), 0) & 255
    sh = lax.broadcasted_iota(jnp.int32, (512, 8), 1)
    bits = ((t2 >> sh) & 1).astype(jnp.float32)
    occ = lax.dot_general(bits, w_ref[...], (((1,), (0,)), ((), ())),
                          preferred_element_type=jnp.float32)
    tcol = lax.broadcasted_iota(jnp.int32, (512, 1), 0)
    tmod = tcol & 255
    masked = tcol >= 256
    esel = jnp.where(tmod == 0, emb_ref[0:1, :],
                     jnp.where(tmod == 1, emb_ref[1:2, :], emb_ref[2:3, :]))
    full = occ + b_ref[...] + jnp.where(masked, esel, 0.0)
    for s in range(NSLICE):
        table_ref[s] = full[:, s * CW:(s + 1) * CW]
    idx_ref[...] = tok_ref[...] + 256 * mask_ref[...].astype(jnp.int32)


def _sc_gather_body(table_hbm, idx_hbm, out_hbm, tbl_v, idx_v, stg0, stg1,
                    wsem0, wsem1):
    cid = lax.axis_index("c")
    sid = lax.axis_index("s")
    sl = sid % NSLICE
    grp = (sid // NSLICE) * NUM_CORES + cid
    col0 = sl * CW
    tok0 = grp * TPT
    ld_t = pltpu.async_copy(table_hbm.at[sl], tbl_v, wsem0)
    ld_i = pltpu.async_copy(idx_hbm.at[pl.ds(tok0, TPT)],
                            idx_v.at[pl.ds(0, TPT)], wsem1)
    ld_t.wait()
    ld_i.wait()
    stgs = (stg0, stg1)
    wsems = (wsem0, wsem1)
    def super_step(i, carry):
        for b in range(2):
            c = 2 * i + b

            @pl.when(c >= 2)
            def _drain():
                pltpu.make_async_copy(
                    stgs[b],
                    out_hbm.at[pl.ds(0, CHT), pl.ds(col0, CW)],
                    wsems[b]).wait()

            stg = stgs[b]

            def tok_body(t):
                row = idx_v[pl.ds(c * CHT + t, 16)][0]
                for k in range(CW // 16):
                    stg[t, pl.ds(16 * k, 16)] = tbl_v[row, pl.ds(16 * k, 16)]

            plsc.parallel_loop(0, CHT, 1, unroll=2)(tok_body)
            pltpu.async_copy(
                stgs[b],
                out_hbm.at[pl.ds(tok0 + c * CHT, CHT), pl.ds(col0, CW)],
                wsems[b])
        return carry

    lax.fori_loop(0, NCHK // 2, super_step, 0)
    for b in range(2):
        pltpu.make_async_copy(
            stgs[b], out_hbm.at[pl.ds(0, CHT), pl.ds(col0, CW)],
            wsems[b]).wait()


@jax.jit
def kernel(token_ids, mask, W_occ, b_occ, emb_table):
    table, idx = pl.pallas_call(
        _table_idx_body,
        out_shape=(
            jax.ShapeDtypeStruct((NSLICE, 512, CW), jnp.float32),
            jax.ShapeDtypeStruct((B, S), jnp.int32),
        ),
    )(token_ids.astype(jnp.int32), mask, W_occ,
      b_occ.reshape(1, EMBED), emb_table)

    gather = pl.kernel(
        _sc_gather_body,
        out_type=jax.ShapeDtypeStruct((TOKENS, EMBED), jnp.float32),
        mesh=plsc.VectorSubcoreMesh(core_axis_name="c", subcore_axis_name="s"),
        compiler_params=pltpu.CompilerParams(needs_layout_passes=False),
        scratch_types=[
            pltpu.VMEM((512, CW), jnp.float32),
            pltpu.VMEM((TPT + 16,), jnp.int32),
            pltpu.VMEM((CHT, CW), jnp.float32),
            pltpu.VMEM((CHT, CW), jnp.float32),
            pltpu.SemaphoreType.DMA,
            pltpu.SemaphoreType.DMA,
        ],
    )
    out = gather(table, idx.reshape(TOKENS))
    return out.reshape(B, S, EMBED)

# --- scband reference (transcript-rebuilt; emitter-appended) ---
"""Pipeline reference for scband-octree-token-embedding-28192165331417 (READ-ONLY COPY).

The authoritative reference and input builder live on the scoring server;
editing this copy changes nothing except your own understanding.
"""

import jax, jax.numpy as jnp
import numpy as np

EMBED_DIM = 1024
NUM_ATTRIBUTES = 4
B, S = 4, 8192


def setup_inputs(seed: int = 0) -> dict:
    key = jax.random.key(seed)
    k1, k2, k3, k4 = jax.random.split(key, 4)
    token_ids = jax.random.randint(k1, (B, S), 0, 256)
    mask = jax.random.randint(k2, (B, S), 0, 2).astype(jnp.bool_)
    # nn.Linear(8, embed_dim): weight [embed_dim, 8], store transposed as [8, embed_dim]
    bound = 1.0 / np.sqrt(8.0)
    W_occ = jax.random.uniform(k3, (8, EMBED_DIM), minval=-bound, maxval=bound, dtype=jnp.float32)
    b_occ = jnp.zeros((EMBED_DIM,), dtype=jnp.float32)
    emb_table = jax.random.normal(k4, (NUM_ATTRIBUTES, EMBED_DIM), dtype=jnp.float32)
    # padding_idx = num_attributes - 1 initialized to zeros
    emb_table = emb_table.at[NUM_ATTRIBUTES - 1].set(0.0)
    return {"token_ids": token_ids, "mask": mask, "W_occ": W_occ, "b_occ": b_occ, "emb_table": emb_table}


def reference(token_ids, mask, W_occ, b_occ, emb_table):
    token_ids = token_ids.astype(jnp.int32)
    shifts = jnp.arange(8, dtype=jnp.int32)
    bits = ((token_ids[..., None] >> shifts) & 1).astype(jnp.float32)
    occupancy = bits @ W_occ + b_occ
    attribute_ids = jnp.where(token_ids <= 1, token_ids, jnp.full_like(token_ids, 2))
    attribute_ids = jnp.where(mask, attribute_ids, jnp.full_like(attribute_ids, 3))
    attributes = jnp.take(emb_table, attribute_ids, axis=0)
    return occupancy + attributes

if __name__ == "__main__":
    import jax
    _d = setup_inputs()
    print(jax.jit(kernel)(*tuple(_d.values())))

</pallas_src>

<mosaic_0001>
#map = affine_map<(d0, d1) -> (0, 0, 0)>
#map1 = affine_map<(d0, d1) -> (0)>
#map2 = affine_map<(d0, d1) -> (0, 0)>
module attributes {stable_mosaic.version = 14 : i64} {
  func.func @_sc_gather_body(%arg0: i32, %arg1: i32, %arg2: memref<8x512x128xf32, #tpu.memory_space<hbm>>, %arg3: memref<32768xi32, #tpu.memory_space<hbm>>, %arg4: memref<32768x1024xf32, #tpu.memory_space<hbm>>, %arg5: memref<512x128xf32, #tpu.memory_space<vmem>>, %arg6: memref<8208xi32, #tpu.memory_space<vmem>>, %arg7: memref<128x128xf32, #tpu.memory_space<vmem>>, %arg8: memref<128x128xf32, #tpu.memory_space<vmem>>, %arg9: memref<!tpu.dma_semaphore, #tpu.memory_space<semaphore_mem>>, %arg10: memref<!tpu.dma_semaphore, #tpu.memory_space<semaphore_mem>>) attributes {dimension_semantics = [#tpu.dimension_semantics<core_parallel>, #tpu.dimension_semantics<subcore_parallel>], iteration_bounds = array<i64: 2, 16>, scalar_prefetch = 0 : i64, scratch_operands = 6 : i64, tpu.core_type = #tpu.core_type<sc_vector_subcore>, window_params = [{transform_indices = #map}, {transform_indices = #map1}, {transform_indices = #map2}]} {
    %jit3A = arith.constant 8 : i32
    %eq3A = arith.constant 0 : i32
    %eq3A_0 = arith.cmpi eq, %jit3A, %eq3A : i32
    %jit3A_1 = arith.constant 1 : i32
    %select_n3A = arith.select %eq3A_0, %jit3A_1, %jit3A : i32
    %rem3A = arith.remsi %arg1, %select_n3A : i32
    %ne3A = arith.constant 0 : i32
    %ne3A_2 = arith.cmpi ne, %rem3A, %ne3A : i32
    %lt3A = arith.constant 0 : i32
    %lt3A_3 = arith.cmpi slt, %rem3A, %lt3A : i32
    %lt3A_4 = arith.constant 0 : i32
    %lt3A_5 = arith.cmpi slt, %select_n3A, %lt3A_4 : i32
    %ne3A_6 = arith.xori %lt3A_3, %lt3A_5 : i1
    %and3A = arith.andi %ne3A_6, %ne3A_2 : i1
    %add3A = arith.addi %rem3A, %select_n3A : i32
    %select_n3A_7 = arith.select %and3A, %add3A, %rem3A : i32
    %jit3A_8 = arith.constant 8 : i32
    %div3A = arith.divsi %arg1, %jit3A_8 : i32
    %sign3A = arith.constant 0 : i32
    %sign3A_9 = arith.cmpi sgt, %arg1, %sign3A : i32
    %sign3A_10 = arith.extui %sign3A_9 : i1 to i32
    %sign3A_11 = arith.constant 0 : i32
    %sign3A_12 = arith.cmpi slt, %arg1, %sign3A_11 : i32
    %sign3A_13 = arith.extui %sign3A_12 : i1 to i32
    %sign3A_14 = arith.subi %sign3A_10, %sign3A_13 : i32
    %sign3A_15 = arith.constant 0 : i32
    %sign3A_16 = arith.cmpi sgt, %jit3A_8, %sign3A_15 : i32
    %sign3A_17 = arith.extui %sign3A_16 : i1 to i32
    %sign3A_18 = arith.constant 0 : i32
    %sign3A_19 = arith.cmpi slt, %jit3A_8, %sign3A_18 : i32
    %sign3A_20 = arith.extui %sign3A_19 : i1 to i32
    %sign3A_21 = arith.subi %sign3A_17, %sign3A_20 : i32
    %ne3A_22 = arith.cmpi ne, %sign3A_14, %sign3A_21 : i32
    %rem3A_23 = arith.remsi %arg1, %jit3A_8 : i32
    %ne3A_24 = arith.constant 0 : i32
    %ne3A_25 = arith.cmpi ne, %rem3A_23, %ne3A_24 : i32
    %and3A_26 = arith.andi %ne3A_22, %ne3A_25 : i1
    %sub3A = arith.constant 1 : i32
    %sub3A_27 = arith.subi %div3A, %sub3A : i32
    %select_n3A_28 = arith.select %and3A_26, %sub3A_27, %div3A : i32
    %mul3A = arith.constant 2 : i32
    %mul3A_29 = arith.muli %select_n3A_28, %mul3A : i32
    %add3A_30 = arith.addi %mul3A_29, %arg0 : i32
    %mul3A_31 = arith.constant 128 : i32
    %mul3A_32 = arith.muli %select_n3A_7, %mul3A_31 : i32
    %mul3A_33 = arith.constant 8192 : i32
    %mul3A_34 = arith.muli %add3A_30, %mul3A_33 : i32
    %dma_start3A = arith.constant 0 : i32
    %dma_start3A_35 = arith.constant 0 : i32
    %dma_start3A_36 = tpu.memref_slice %arg2[%select_n3A_7, %dma_start3A, %dma_start3A_35] : memref<8x512x128xf32, #tpu.memory_space<hbm>> -> memref<1x512x128xf32, #tpu.memory_space<hbm>>
    %dma_start3A_37 = tpu.memref_squeeze %dma_start3A_36 : memref<1x512x128xf32, #tpu.memory_space<hbm>> -> memref<512x128xf32, #tpu.memory_space<hbm>>
    %dma_start3A_38 = arith.constant 0 : i32
    %dma_start3A_39 = arith.constant 0 : i32
    %dma_start3A_40 = tpu.memref_slice %arg2[%select_n3A_7, %dma_start3A_38, %dma_start3A_39] : memref<8x512x128xf32, #tpu.memory_space<hbm>> -> memref<1x512x128xf32, #tpu.memory_space<hbm>>
    %dma_start3A_41 = tpu.memref_squeeze %dma_start3A_40 : memref<1x512x128xf32, #tpu.memory_space<hbm>> -> memref<512x128xf32, #tpu.memory_space<hbm>>
    tpu.enqueue_dma source(%dma_start3A_41 : memref<512x128xf32, #tpu.memory_space<hbm>>) target(%arg5 : memref<512x128xf32, #tpu.memory_space<vmem>>) target_semaphore(%arg9 : memref<!tpu.dma_semaphore, #tpu.memory_space<semaphore_mem>>)
    %dma_start3A_42 = arith.constant 0 : i32
    %dma_start3A_43 = tpu.memref_slice %arg6[%dma_start3A_42] : memref<8208xi32, #tpu.memory_space<vmem>> -> memref<8192xi32, #tpu.memory_space<vmem>>
    %dma_start3A_44 = tpu.memref_slice %arg3[%mul3A_34] : memref<32768xi32, #tpu.memory_space<hbm>> -> memref<8192xi32, #tpu.memory_space<hbm>>
    %dma_start3A_45 = arith.constant 0 : i32
    %dma_start3A_46 = tpu.memref_slice %arg6[%dma_start3A_45] : memref<8208xi32, #tpu.memory_space<vmem>> -> memref<8192xi32, #tpu.memory_space<vmem>>
    %dma_start3A_47 = tpu.memref_slice %arg3[%mul3A_34] : memref<32768xi32, #tpu.memory_space<hbm>> -> memref<8192xi32, #tpu.memory_space<hbm>>
    tpu.enqueue_dma source(%dma_start3A_47 : memref<8192xi32, #tpu.memory_space<hbm>>) target(%dma_start3A_46 : memref<8192xi32, #tpu.memory_space<vmem>>) target_semaphore(%arg10 : memref<!tpu.dma_semaphore, #tpu.memory_space<semaphore_mem>>)
    %dma_wait3A = arith.constant 0 : i32
    %dma_wait3A_48 = arith.constant 0 : i32
    %dma_wait3A_49 = tpu.memref_slice %arg2[%select_n3A_7, %dma_wait3A, %dma_wait3A_48] : memref<8x512x128xf32, #tpu.memory_space<hbm>> -> memref<1x512x128xf32, #tpu.memory_space<hbm>>
    %dma_wait3A_50 = tpu.memref_squeeze %dma_wait3A_49 : memref<1x512x128xf32, #tpu.memory_space<hbm>> -> memref<512x128xf32, #tpu.memory_space<hbm>>
    %dma_wait3A_51 = arith.constant 0 : i32
    %dma_wait3A_52 = arith.constant 0 : i32
    %dma_wait3A_53 = tpu.memref_slice %arg2[%select_n3A_7, %dma_wait3A_51, %dma_wait3A_52] : memref<8x512x128xf32, #tpu.memory_space<hbm>> -> memref<1x512x128xf32, #tpu.memory_space<hbm>>
    %dma_wait3A_54 = tpu.memref_squeeze %dma_wait3A_53 : memref<1x512x128xf32, #tpu.memory_space<hbm>> -> memref<512x128xf32, #tpu.memory_space<hbm>>
    tpu.wait_dma2 semaphore(%arg9 : memref<!tpu.dma_semaphore, #tpu.memory_space<semaphore_mem>>) src(%dma_wait3A_54 : memref<512x128xf32, #tpu.memory_space<hbm>>) dst(%arg5 : memref<512x128xf32, #tpu.memory_space<vmem>>)
    %dma_wait3A_55 = arith.constant 0 : i32
    %dma_wait3A_56 = tpu.memref_slice %arg6[%dma_wait3A_55] : memref<8208xi32, #tpu.memory_space<vmem>> -> memref<8192xi32, #tpu.memory_space<vmem>>
    %dma_wait3A_57 = tpu.memref_slice %arg3[%mul3A_34] : memref<32768xi32, #tpu.memory_space<hbm>> -> memref<8192xi32, #tpu.memory_space<hbm>>
    %dma_wait3A_58 = arith.constant 0 : i32
    %dma_wait3A_59 = tpu.memref_slice %arg6[%dma_wait3A_58] : memref<8208xi32, #tpu.memory_space<vmem>> -> memref<8192xi32, #tpu.memory_space<vmem>>
    %dma_wait3A_60 = tpu.memref_slice %arg3[%mul3A_34] : memref<32768xi32, #tpu.memory_space<hbm>> -> memref<8192xi32, #tpu.memory_space<hbm>>
    tpu.wait_dma2 semaphore(%arg10 : memref<!tpu.dma_semaphore, #tpu.memory_space<semaphore_mem>>) src(%dma_wait3A_60 : memref<8192xi32, #tpu.memory_space<hbm>>) dst(%dma_wait3A_59 : memref<8192xi32, #tpu.memory_space<vmem>>)
    %scan3A = arith.constant 0 : i32
    %scan3A_61 = arith.constant 0 : i32
    %scan3A_62 = arith.constant 32 : i32
    %scan3A_63 = arith.addi %scan3A_61, %scan3A_62 : i32
    %scan3A_64 = arith.constant 1 : i32
    scf.for %scan3A_74 = %scan3A_61 to %scan3A_63 step %scan3A_64  : i32 {
      %mul3A_75 = arith.constant 2 : i32
      %mul3A_76 = arith.muli %mul3A_75, %scan3A_74 : i32
      %add3A_77 = arith.constant 0 : i32
      %add3A_78 = arith.addi %mul3A_76, %add3A_77 : i32
      %ge3A = arith.constant 2 : i32
      %ge3A_79 = arith.cmpi sge, %add3A_78, %ge3A : i32
      %convert_element_type3A = arith.extui %ge3A_79 : i1 to i32
      %cond3A = arith.constant 0 : i32
      %cond3A_80 = arith.cmpi ne, %convert_element_type3A, %cond3A : i32
      scf.if %cond3A_80 {
        %dma_wait3A_105 = arith.constant 0 : i32
        %dma_wait3A_106 = tpu.memref_slice %arg4[%dma_wait3A_105, %mul3A_32] : memref<32768x1024xf32, #tpu.memory_space<hbm>> -> memref<128x128xf32, #tpu.memory_space<hbm>>
        %dma_wait3A_107 = arith.constant 0 : i32
        %dma_wait3A_108 = tpu.memref_slice %arg4[%dma_wait3A_107, %mul3A_32] : memref<32768x1024xf32, #tpu.memory_space<hbm>> -> memref<128x128xf32, #tpu.memory_space<hbm>>
        tpu.wait_dma2 semaphore(%arg9 : memref<!tpu.dma_semaphore, #tpu.memory_space<semaphore_mem>>) src(%arg7 : memref<128x128xf32, #tpu.memory_space<vmem>>) dst(%dma_wait3A_108 : memref<128x128xf32, #tpu.memory_space<hbm>>)
      } else {
      }
      %parallel_loop3A = arith.constant 0 : i32
      %parallel_loop3A_81 = arith.constant 128 : i32
      %parallel_loop3A_82 = arith.constant 1 : i32
      scf.for %parallel_loop3A_105 = %parallel_loop3A to %parallel_loop3A_81 step %parallel_loop3A_82  : i32 {
        %parallel_loop3A_106 = arith.constant 128 : i32
        %parallel_loop3A_107 = arith.muli %add3A_78, %parallel_loop3A_106 : i32
        %parallel_loop3A_108 = arith.addi %parallel_loop3A_107, %parallel_loop3A_105 : i32
        %parallel_loop3A_109 = arith.index_cast %parallel_loop3A_108 : i32 to index
        %parallel_loop3A_110 = tpu.vector_load %arg6[%parallel_loop3A_109] {strides = array<i32>} : memref<8208xi32, #tpu.memory_space<vmem>>, vector<16xi32>,
        %parallel_loop3A_111 = vector.extract_strided_slice %parallel_loop3A_110 {offsets = [0], sizes = [1], strides = [1]} : vector<16xi32> to vector<1xi32>
        %parallel_loop3A_112 = vector.extract %parallel_loop3A_111[0] : i32 from vector<1xi32>
        %parallel_loop3A_113 = arith.index_cast %parallel_loop3A_112 : i32 to index
        %parallel_loop3A_114 = arith.constant 0 : index
        %parallel_loop3A_115 = tpu.vector_load %arg5[%parallel_loop3A_113, %parallel_loop3A_114] {strides = array<i32>} : memref<512x128xf32, #tpu.memory_space<vmem>>, vector<16xf32>,
        %parallel_loop3A_116 = arith.index_cast %parallel_loop3A_105 : i32 to index
        %parallel_loop3A_117 = arith.constant 0 : index
        %parallel_loop3A_118 = tpu.vector_load %arg7[%parallel_loop3A_116, %parallel_loop3A_117] {strides = array<i32>} : memref<128x128xf32, #tpu.memory_space<vmem>>, vector<16xf32>,
        tpu.vector_store %arg7[%parallel_loop3A_116, %parallel_loop3A_117], %parallel_loop3A_115 {strides = array<i32>} : memref<128x128xf32, #tpu.memory_space<vmem>>, vector<16xf32>,
        %parallel_loop3A_119 = arith.index_cast %parallel_loop3A_112 : i32 to index
        %parallel_loop3A_120 = arith.constant 16 : index
        %parallel_loop3A_121 = tpu.vector_load %arg5[%parallel_loop3A_119, %parallel_loop3A_120] {strides = array<i32>} : memref<512x128xf32, #tpu.memory_space<vmem>>, vector<16xf32>,
        %parallel_loop3A_122 = arith.index_cast %parallel_loop3A_105 : i32 to index
        %parallel_loop3A_123 = arith.constant 16 : index
        %parallel_loop3A_124 = tpu.vector_load %arg7[%parallel_loop3A_122, %parallel_loop3A_123] {strides = array<i32>} : memref<128x128xf32, #tpu.memory_space<vmem>>, vector<16xf32>,
        tpu.vector_store %arg7[%parallel_loop3A_122, %parallel_loop3A_123], %parallel_loop3A_121 {strides = array<i32>} : memref<128x128xf32, #tpu.memory_space<vmem>>, vector<16xf32>,
        %parallel_loop3A_125 = arith.index_cast %parallel_loop3A_112 : i32 to index
        %parallel_loop3A_126 = arith.constant 32 : index
        %parallel_loop3A_127 = tpu.vector_load %arg5[%parallel_loop3A_125, %parallel_loop3A_126] {strides = array<i32>} : memref<512x128xf32, #tpu.memory_space<vmem>>, vector<16xf32>,
        %parallel_loop3A_128 = arith.index_cast %parallel_loop3A_105 : i32 to index
        %parallel_loop3A_129 = arith.constant 32 : index
        %parallel_loop3A_130 = tpu.vector_load %arg7[%parallel_loop3A_128, %parallel_loop3A_129] {strides = array<i32>} : memref<128x128xf32, #tpu.memory_space<vmem>>, vector<16xf32>,
        tpu.vector_store %arg7[%parallel_loop3A_128, %parallel_loop3A_129], %parallel_loop3A_127 {strides = array<i32>} : memref<128x128xf32, #tpu.memory_space<vmem>>, vector<16xf32>,
        %parallel_loop3A_131 = arith.index_cast %parallel_loop3A_112 : i32 to index
        %parallel_loop3A_132 = arith.constant 48 : index
        %parallel_loop3A_133 = tpu.vector_load %arg5[%parallel_loop3A_131, %parallel_loop3A_132] {strides = array<i32>} : memref<512x128xf32, #tpu.memory_space<vmem>>, vector<16xf32>,
        %parallel_loop3A_134 = arith.index_cast %parallel_loop3A_105 : i32 to index
        %parallel_loop3A_135 = arith.constant 48 : index
        %parallel_loop3A_136 = tpu.vector_load %arg7[%parallel_loop3A_134, %parallel_loop3A_135] {strides = array<i32>} : memref<128x128xf32, #tpu.memory_space<vmem>>, vector<16xf32>,
        tpu.vector_store %arg7[%parallel_loop3A_134, %parallel_loop3A_135], %parallel_loop3A_133 {strides = array<i32>} : memref<128x128xf32, #tpu.memory_space<vmem>>, vector<16xf32>,
        %parallel_loop3A_137 = arith.index_cast %parallel_loop3A_112 : i32 to index
        %parallel_loop3A_138 = arith.constant 64 : index
        %parallel_loop3A_139 = tpu.vector_load %arg5[%parallel_loop3A_137, %parallel_loop3A_138] {strides = array<i32>} : memref<512x128xf32, #tpu.memory_space<vmem>>, vector<16xf32>,
        %parallel_loop3A_140 = arith.index_cast %parallel_loop3A_105 : i32 to index
        %parallel_loop3A_141 = arith.constant 64 : index
        %parallel_loop3A_142 = tpu.vector_load %arg7[%parallel_loop3A_140, %parallel_loop3A_141] {strides = array<i32>} : memref<128x128xf32, #tpu.memory_space<vmem>>, vector<16xf32>,
        tpu.vector_store %arg7[%parallel_loop3A_140, %parallel_loop3A_141], %parallel_loop3A_139 {strides = array<i32>} : memref<128x128xf32, #tpu.memory_space<vmem>>, vector<16xf32>,
        %parallel_loop3A_143 = arith.index_cast %parallel_loop3A_112 : i32 to index
        %parallel_loop3A_144 = arith.constant 80 : index
        %parallel_loop3A_145 = tpu.vector_load %arg5[%parallel_loop3A_143, %parallel_loop3A_144] {strides = array<i32>} : memref<512x128xf32, #tpu.memory_space<vmem>>, vector<16xf32>,
        %parallel_loop3A_146 = arith.index_cast %parallel_loop3A_105 : i32 to index
        %parallel_loop3A_147 = arith.constant 80 : index
        %parallel_loop3A_148 = tpu.vector_load %arg7[%parallel_loop3A_146, %parallel_loop3A_147] {strides = array<i32>} : memref<128x128xf32, #tpu.memory_space<vmem>>, vector<16xf32>,
        tpu.vector_store %arg7[%parallel_loop3A_146, %parallel_loop3A_147], %parallel_loop3A_145 {strides = array<i32>} : memref<128x128xf32, #tpu.memory_space<vmem>>, vector<16xf32>,
        %parallel_loop3A_149 = arith.index_cast %parallel_loop3A_112 : i32 to index
        %parallel_loop3A_150 = arith.constant 96 : index
        %parallel_loop3A_151 = tpu.vector_load %arg5[%parallel_loop3A_149, %parallel_loop3A_150] {strides = array<i32>} : memref<512x128xf32, #tpu.memory_space<vmem>>, vector<16xf32>,
        %parallel_loop3A_152 = arith.index_cast %parallel_loop3A_105 : i32 to index
        %parallel_loop3A_153 = arith.constant 96 : index
        %parallel_loop3A_154 = tpu.vector_load %arg7[%parallel_loop3A_152, %parallel_loop3A_153] {strides = array<i32>} : memref<128x128xf32, #tpu.memory_space<vmem>>, vector<16xf32>,
        tpu.vector_store %arg7[%parallel_loop3A_152, %parallel_loop3A_153], %parallel_loop3A_151 {strides = array<i32>} : memref<128x128xf32, #tpu.memory_space<vmem>>, vector<16xf32>,
        %parallel_loop3A_155 = arith.index_cast %parallel_loop3A_112 : i32 to index
        %parallel_loop3A_156 = arith.constant 112 : index
        %parallel_loop3A_157 = tpu.vector_load %arg5[%parallel_loop3A_155, %parallel_loop3A_156] {strides = array<i32>} : memref<512x128xf32, #tpu.memory_space<vmem>>, vector<16xf32>,
        %parallel_loop3A_158 = arith.index_cast %parallel_loop3A_105 : i32 to index
        %parallel_loop3A_159 = arith.constant 112 : index
        %parallel_loop3A_160 = tpu.vector_load %arg7[%parallel_loop3A_158, %parallel_loop3A_159] {strides = array<i32>} : memref<128x128xf32, #tpu.memory_space<vmem>>, vector<16xf32>,
        tpu.vector_store %arg7[%parallel_loop3A_158, %parallel_loop3A_159], %parallel_loop3A_157 {strides = array<i32>} : memref<128x128xf32, #tpu.memory_space<vmem>>, vector<16xf32>,
      } {sc.loop_unroll_factor = 2 : i64, sc.parallel_access}
      %mul3A_83 = arith.constant 128 : i32
      %mul3A_84 = arith.muli %add3A_78, %mul3A_83 : i32
      %add3A_85 = arith.addi %mul3A_34, %mul3A_84 : i32
      %dma_start3A_86 = tpu.memref_slice %arg4[%add3A_85, %mul3A_32] : memref<32768x1024xf32, #tpu.memory_space<hbm>> -> memref<128x128xf32, #tpu.memory_space<hbm>>
      %dma_start3A_87 = tpu.memref_slice %arg4[%add3A_85, %mul3A_32] : memref<32768x1024xf32, #tpu.memory_space<hbm>> -> memref<128x128xf32, #tpu.memory_space<hbm>>
      tpu.enqueue_dma source(%arg7 : memref<128x128xf32, #tpu.memory_space<vmem>>) target(%dma_start3A_87 : memref<128x128xf32, #tpu.memory_space<hbm>>) target_semaphore(%arg9 : memref<!tpu.dma_semaphore, #tpu.memory_space<semaphore_mem>>)
      %mul3A_88 = arith.constant 2 : i32
      %mul3A_89 = arith.muli %mul3A_88, %scan3A_74 : i32
      %add3A_90 = arith.constant 1 : i32
      %add3A_91 = arith.addi %mul3A_89, %add3A_90 : i32
      %ge3A_92 = arith.constant 2 : i32
      %ge3A_93 = arith.cmpi sge, %add3A_91, %ge3A_92 : i32
      %convert_element_type3A_94 = arith.extui %ge3A_93 : i1 to i32
      %cond3A_95 = arith.constant 0 : i32
      %cond3A_96 = arith.cmpi ne, %convert_element_type3A_94, %cond3A_95 : i32
      scf.if %cond3A_96 {
        %dma_wait3A_105 = arith.constant 0 : i32
        %dma_wait3A_106 = tpu.memref_slice %arg4[%dma_wait3A_105, %mul3A_32] : memref<32768x1024xf32, #tpu.memory_space<hbm>> -> memref<128x128xf32, #tpu.memory_space<hbm>>
        %dma_wait3A_107 = arith.constant 0 : i32
        %dma_wait3A_108 = tpu.memref_slice %arg4[%dma_wait3A_107, %mul3A_32] : memref<32768x1024xf32, #tpu.memory_space<hbm>> -> memref<128x128xf32, #tpu.memory_space<hbm>>
        tpu.wait_dma2 semaphore(%arg10 : memref<!tpu.dma_semaphore, #tpu.memory_space<semaphore_mem>>) src(%arg8 : memref<128x128xf32, #tpu.memory_space<vmem>>) dst(%dma_wait3A_108 : memref<128x128xf32, #tpu.memory_space<hbm>>)
      } else {
      }
      %parallel_loop3A_97 = arith.constant 0 : i32
      %parallel_loop3A_98 = arith.constant 128 : i32
      %parallel_loop3A_99 = arith.constant 1 : i32
      scf.for %parallel_loop3A_105 = %parallel_loop3A_97 to %parallel_loop3A_98 step %parallel_loop3A_99  : i32 {
        %parallel_loop3A_106 = arith.constant 128 : i32
        %parallel_loop3A_107 = arith.muli %add3A_91, %parallel_loop3A_106 : i32
        %parallel_loop3A_108 = arith.addi %parallel_loop3A_107, %parallel_loop3A_105 : i32
        %parallel_loop3A_109 = arith.index_cast %parallel_loop3A_108 : i32 to index
        %parallel_loop3A_110 = tpu.vector_load %arg6[%parallel_loop3A_109] {strides = array<i32>} : memref<8208xi32, #tpu.memory_space<vmem>>, vector<16xi32>,
        %parallel_loop3A_111 = vector.extract_strided_slice %parallel_loop3A_110 {offsets = [0], sizes = [1], strides = [1]} : vector<16xi32> to vector<1xi32>
        %parallel_loop3A_112 = vector.extract %parallel_loop3A_111[0] : i32 from vector<1xi32>
        %parallel_loop3A_113 = arith.index_cast %parallel_loop3A_112 : i32 to index
        %parallel_loop3A_114 = arith.constant 0 : index
        %parallel_loop3A_115 = tpu.vector_load %arg5[%parallel_loop3A_113, %parallel_loop3A_114] {strides = array<i32>} : memref<512x128xf32, #tpu.memory_space<vmem>>, vector<16xf32>,
        %parallel_loop3A_116 = arith.index_cast %parallel_loop3A_105 : i32 to index
        %parallel_loop3A_117 = arith.constant 0 : index
        %parallel_loop3A_118 = tpu.vector_load %arg8[%parallel_loop3A_116, %parallel_loop3A_117] {strides = array<i32>} : memref<128x128xf32, #tpu.memory_space<vmem>>, vector<16xf32>,
        tpu.vector_store %arg8[%parallel_loop3A_116, %parallel_loop3A_117], %parallel_loop3A_115 {strides = array<i32>} : memref<128x128xf32, #tpu.memory_space<vmem>>, vector<16xf32>,
        %parallel_loop3A_119 = arith.index_cast %parallel_loop3A_112 : i32 to index
        %parallel_loop3A_120 = arith.constant 16 : index
        %parallel_loop3A_121 = tpu.vector_load %arg5[%parallel_loop3A_119, %parallel_loop3A_120] {strides = array<i32>} : memref<512x128xf32, #tpu.memory_space<vmem>>, vector<16xf32>,
        %parallel_loop3A_122 = arith.index_cast %parallel_loop3A_105 : i32 to index
        %parallel_loop3A_123 = arith.constant 16 : index
        %parallel_loop3A_124 = tpu.vector_load %arg8[%parallel_loop3A_122, %parallel_loop3A_123] {strides = array<i32>} : memref<128x128xf32, #tpu.memory_space<vmem>>, vector<16xf32>,
        tpu.vector_store %arg8[%parallel_loop3A_122, %parallel_loop3A_123], %parallel_loop3A_121 {strides = array<i32>} : memref<128x128xf32, #tpu.memory_space<vmem>>, vector<16xf32>,
        %parallel_loop3A_125 = arith.index_cast %parallel_loop3A_112 : i32 to index
        %parallel_loop3A_126 = arith.constant 32 : index
        %parallel_loop3A_127 = tpu.vector_load %arg5[%parallel_loop3A_125, %parallel_loop3A_126] {strides = array<i32>} : memref<512x128xf32, #tpu.memory_space<vmem>>, vector<16xf32>,
        %parallel_loop3A_128 = arith.index_cast %parallel_loop3A_105 : i32 to index
        %parallel_loop3A_129 = arith.constant 32 : index
        %parallel_loop3A_130 = tpu.vector_load %arg8[%parallel_loop3A_128, %parallel_loop3A_129] {strides = array<i32>} : memref<128x128xf32, #tpu.memory_space<vmem>>, vector<16xf32>,
        tpu.vector_store %arg8[%parallel_loop3A_128, %parallel_loop3A_129], %parallel_loop3A_127 {strides = array<i32>} : memref<128x128xf32, #tpu.memory_space<vmem>>, vector<16xf32>,
        %parallel_loop3A_131 = arith.index_cast %parallel_loop3A_112 : i32 to index
        %parallel_loop3A_132 = arith.constant 48 : index
        %parallel_loop3A_133 = tpu.vector_load %arg5[%parallel_loop3A_131, %parallel_loop3A_132] {strides = array<i32>} : memref<512x128xf32, #tpu.memory_space<vmem>>, vector<16xf32>,
        %parallel_loop3A_134 = arith.index_cast %parallel_loop3A_105 : i32 to index
        %parallel_loop3A_135 = arith.constant 48 : index
        %parallel_loop3A_136 = tpu.vector_load %arg8[%parallel_loop3A_134, %parallel_loop3A_135] {strides = array<i32>} : memref<128x128xf32, #tpu.memory_space<vmem>>, vector<16xf32>,
        tpu.vector_store %arg8[%parallel_loop3A_134, %parallel_loop3A_135], %parallel_loop3A_133 {strides = array<i32>} : memref<128x128xf32, #tpu.memory_space<vmem>>, vector<16xf32>,
        %parallel_loop3A_137 = arith.index_cast %parallel_loop3A_112 : i32 to index
        %parallel_loop3A_138 = arith.constant 64 : index
        %parallel_loop3A_139 = tpu.vector_load %arg5[%parallel_loop3A_137, %parallel_loop3A_138] {strides = array<i32>} : memref<512x128xf32, #tpu.memory_space<vmem>>, vector<16xf32>,
        %parallel_loop3A_140 = arith.index_cast %parallel_loop3A_105 : i32 to index
        %parallel_loop3A_141 = arith.constant 64 : index
        %parallel_loop3A_142 = tpu.vector_load %arg8[%parallel_loop3A_140, %parallel_loop3A_141] {strides = array<i32>} : memref<128x128xf32, #tpu.memory_space<vmem>>, vector<16xf32>,
        tpu.vector_store %arg8[%parallel_loop3A_140, %parallel_loop3A_141], %parallel_loop3A_139 {strides = array<i32>} : memref<128x128xf32, #tpu.memory_space<vmem>>, vector<16xf32>,
        %parallel_loop3A_143 = arith.index_cast %parallel_loop3A_112 : i32 to index
        %parallel_loop3A_144 = arith.constant 80 : index
        %parallel_loop3A_145 = tpu.vector_load %arg5[%parallel_loop3A_143, %parallel_loop3A_144] {strides = array<i32>} : memref<512x128xf32, #tpu.memory_space<vmem>>, vector<16xf32>,
        %parallel_loop3A_146 = arith.index_cast %parallel_loop3A_105 : i32 to index
        %parallel_loop3A_147 = arith.constant 80 : index
        %parallel_loop3A_148 = tpu.vector_load %arg8[%parallel_loop3A_146, %parallel_loop3A_147] {strides = array<i32>} : memref<128x128xf32, #tpu.memory_space<vmem>>, vector<16xf32>,
        tpu.vector_store %arg8[%parallel_loop3A_146, %parallel_loop3A_147], %parallel_loop3A_145 {strides = array<i32>} : memref<128x128xf32, #tpu.memory_space<vmem>>, vector<16xf32>,
        %parallel_loop3A_149 = arith.index_cast %parallel_loop3A_112 : i32 to index
        %parallel_loop3A_150 = arith.constant 96 : index
        %parallel_loop3A_151 = tpu.vector_load %arg5[%parallel_loop3A_149, %parallel_loop3A_150] {strides = array<i32>} : memref<512x128xf32, #tpu.memory_space<vmem>>, vector<16xf32>,
        %parallel_loop3A_152 = arith.index_cast %parallel_loop3A_105 : i32 to index
        %parallel_loop3A_153 = arith.constant 96 : index
        %parallel_loop3A_154 = tpu.vector_load %arg8[%parallel_loop3A_152, %parallel_loop3A_153] {strides = array<i32>} : memref<128x128xf32, #tpu.memory_space<vmem>>, vector<16xf32>,
        tpu.vector_store %arg8[%parallel_loop3A_152, %parallel_loop3A_153], %parallel_loop3A_151 {strides = array<i32>} : memref<128x128xf32, #tpu.memory_space<vmem>>, vector<16xf32>,
        %parallel_loop3A_155 = arith.index_cast %parallel_loop3A_112 : i32 to index
        %parallel_loop3A_156 = arith.constant 112 : index
        %parallel_loop3A_157 = tpu.vector_load %arg5[%parallel_loop3A_155, %parallel_loop3A_156] {strides = array<i32>} : memref<512x128xf32, #tpu.memory_space<vmem>>, vector<16xf32>,
        %parallel_loop3A_158 = arith.index_cast %parallel_loop3A_105 : i32 to index
        %parallel_loop3A_159 = arith.constant 112 : index
        %parallel_loop3A_160 = tpu.vector_load %arg8[%parallel_loop3A_158, %parallel_loop3A_159] {strides = array<i32>} : memref<128x128xf32, #tpu.memory_space<vmem>>, vector<16xf32>,
        tpu.vector_store %arg8[%parallel_loop3A_158, %parallel_loop3A_159], %parallel_loop3A_157 {strides = array<i32>} : memref<128x128xf32, #tpu.memory_space<vmem>>, vector<16xf32>,
      } {sc.loop_unroll_factor = 2 : i64, sc.parallel_access}
      %mul3A_100 = arith.constant 128 : i32
      %mul3A_101 = arith.muli %add3A_91, %mul3A_100 : i32
      %add3A_102 = arith.addi %mul3A_34, %mul3A_101 : i32
      %dma_start3A_103 = tpu.memref_slice %arg4[%add3A_102, %mul3A_32] : memref<32768x1024xf32, #tpu.memory_space<hbm>> -> memref<128x128xf32, #tpu.memory_space<hbm>>
      %dma_start3A_104 = tpu.memref_slice %arg4[%add3A_102, %mul3A_32] : memref<32768x1024xf32, #tpu.memory_space<hbm>> -> memref<128x128xf32, #tpu.memory_space<hbm>>
      tpu.enqueue_dma source(%arg8 : memref<128x128xf32, #tpu.memory_space<vmem>>) target(%dma_start3A_104 : memref<128x128xf32, #tpu.memory_space<hbm>>) target_semaphore(%arg10 : memref<!tpu.dma_semaphore, #tpu.memory_space<semaphore_mem>>)
    }
    %scan3A_65 = arith.constant 32 : i32
    %dma_wait3A_66 = arith.constant 0 : i32
    %dma_wait3A_67 = tpu.memref_slice %arg4[%dma_wait3A_66, %mul3A_32] : memref<32768x1024xf32, #tpu.memory_space<hbm>> -> memref<128x128xf32, #tpu.memory_space<hbm>>
    %dma_wait3A_68 = arith.constant 0 : i32
    %dma_wait3A_69 = tpu.memref_slice %arg4[%dma_wait3A_68, %mul3A_32] : memref<32768x1024xf32, #tpu.memory_space<hbm>> -> memref<128x128xf32, #tpu.memory_space<hbm>>
    tpu.wait_dma2 semaphore(%arg9 : memref<!tpu.dma_semaphore, #tpu.memory_space<semaphore_mem>>) src(%arg7 : memref<128x128xf32, #tpu.memory_space<vmem>>) dst(%dma_wait3A_69 : memref<128x128xf32, #tpu.memory_space<hbm>>)
    %dma_wait3A_70 = arith.constant 0 : i32
    %dma_wait3A_71 = tpu.memref_slice %arg4[%dma_wait3A_70, %mul3A_32] : memref<32768x1024xf32, #tpu.memory_space<hbm>> -> memref<128x128xf32, #tpu.memory_space<hbm>>
    %dma_wait3A_72 = arith.constant 0 : i32
    %dma_wait3A_73 = tpu.memref_slice %arg4[%dma_wait3A_72, %mul3A_32] : memref<32768x1024xf32, #tpu.memory_space<hbm>> -> memref<128x128xf32, #tpu.memory_space<hbm>>
    tpu.wait_dma2 semaphore(%arg10 : memref<!tpu.dma_semaphore, #tpu.memory_space<semaphore_mem>>) src(%arg8 : memref<128x128xf32, #tpu.memory_space<vmem>>) dst(%dma_wait3A_73 : memref<128x128xf32, #tpu.memory_space<hbm>>)
    return
  }
}

module attributes {stable_mosaic.version = 14 : i64} {
  func.func @_table_idx_body(%arg0: memref<4x8192xi32, #tpu.memory_space<vmem>>, %arg1: memref<4x8192xi32, #tpu.memory_space<vmem>>, %arg2: memref<8x1024xf32, #tpu.memory_space<vmem>>, %arg3: memref<1x1024xf32, #tpu.memory_space<vmem>>, %arg4: memref<4x1024xf32, #tpu.memory_space<vmem>>, %arg5: memref<8x512x128xf32, #tpu.memory_space<vmem>>, %arg6: memref<4x8192xi32, #tpu.memory_space<vmem>>) attributes {dimension_semantics = [], scalar_prefetch = 0 : i64, scratch_operands = 0 : i64, tpu.core_type = #tpu.core_type<tc>} {
    %iota3A = tpu.iota {dimensions = array<i32: 0>} : vector<512x8xi32>
    %and3A = arith.constant 255 : i32
    %and3A_0 = vector.broadcast %and3A : i32 to vector<512x8xi32>
    %and3A_1 = arith.andi %iota3A, %and3A_0 : vector<512x8xi32>
    %iota3A_2 = tpu.iota {dimensions = array<i32: 1>} : vector<512x8xi32>
    %shift_right_arithmetic3A = arith.shrsi %and3A_1, %iota3A_2 : vector<512x8xi32>
    %and3A_3 = arith.constant 1 : i32
    %and3A_4 = vector.broadcast %and3A_3 : i32 to vector<512x8xi32>
    %and3A_5 = arith.andi %shift_right_arithmetic3A, %and3A_4 : vector<512x8xi32>
    %convert_element_type3A = arith.sitofp %and3A_5 : vector<512x8xi32> to vector<512x8xf32>
    %get3A = arith.constant 0 : index
    %get3A_6 = arith.constant 0 : index
    %get3A_7 = vector.load %arg2[%get3A, %get3A_6] : memref<8x1024xf32, #tpu.memory_space<vmem>>, vector<8x1024xf32>
    %dot_general3A = arith.constant dense<0.000000e+00> : vector<512x1024xf32>
    %dot_general3A_8 = tpu.matmul %convert_element_type3A, %get3A_7, %dot_general3A {dimension_numbers = #tpu.dot_dimension_numbers<[1], [0], [0], [1], [0, 0, 1, 1], [], []>, transpose_lhs_hint = false} : vector<512x8xf32>, vector<8x1024xf32>, vector<512x1024xf32> -> vector<512x1024xf32>
    %iota3A_9 = tpu.iota {dimensions = array<i32: 0>} : vector<512x1xi32>
    %and3A_10 = arith.constant 255 : i32
    %and3A_11 = vector.broadcast %and3A_10 : i32 to vector<512x1xi32>
    %and3A_12 = arith.andi %iota3A_9, %and3A_11 : vector<512x1xi32>
    %ge3A = arith.constant 256 : i32
    %ge3A_13 = vector.broadcast %ge3A : i32 to vector<512x1xi32>
    %ge3A_14 = arith.cmpi sge, %iota3A_9, %ge3A_13 : vector<512x1xi32>
    %eq3A = arith.constant 0 : i32
    %eq3A_15 = vector.broadcast %eq3A : i32 to vector<512x1xi32>
    %eq3A_16 = arith.cmpi eq, %and3A_12, %eq3A_15 : vector<512x1xi32>
    %get3A_17 = arith.constant 0 : index
    %get3A_18 = arith.constant 0 : index
    %get3A_19 = vector.load %arg4[%get3A_17, %get3A_18] : memref<4x1024xf32, #tpu.memory_space<vmem>>, vector<1x1024xf32>
    %eq3A_20 = arith.constant 1 : i32
    %eq3A_21 = vector.broadcast %eq3A_20 : i32 to vector<512x1xi32>
    %eq3A_22 = arith.cmpi eq, %and3A_12, %eq3A_21 : vector<512x1xi32>
    %get3A_23 = arith.constant 1 : index
    %get3A_24 = arith.constant 0 : index
    %get3A_25 = vector.load %arg4[%get3A_23, %get3A_24] : memref<4x1024xf32, #tpu.memory_space<vmem>>, vector<1x1024xf32>
    %get3A_26 = arith.constant 2 : index
    %get3A_27 = arith.constant 0 : index
    %get3A_28 = vector.load %arg4[%get3A_26, %get3A_27] : memref<4x1024xf32, #tpu.memory_space<vmem>>, vector<1x1024xf32>
    %broadcast_in_dim3A = vector.shape_cast %eq3A_22 : vector<512x1xi1> to vector<512x1xi1>
    %broadcast_in_dim3A_29 = vector.broadcast %broadcast_in_dim3A : vector<512x1xi1> to vector<512x1024xi1>
    %broadcast_in_dim3A_30 = vector.shape_cast %get3A_25 : vector<1x1024xf32> to vector<1x1024xf32>
    %broadcast_in_dim3A_31 = vector.broadcast %broadcast_in_dim3A_30 : vector<1x1024xf32> to vector<512x1024xf32>
    %broadcast_in_dim3A_32 = vector.shape_cast %get3A_28 : vector<1x1024xf32> to vector<1x1024xf32>
    %broadcast_in_dim3A_33 = vector.broadcast %broadcast_in_dim3A_32 : vector<1x1024xf32> to vector<512x1024xf32>
    %select_n3A = arith.select %broadcast_in_dim3A_29, %broadcast_in_dim3A_31, %broadcast_in_dim3A_33 : vector<512x1024xi1>, vector<512x1024xf32>
    %broadcast_in_dim3A_34 = vector.shape_cast %eq3A_16 : vector<512x1xi1> to vector<512x1xi1>
    %broadcast_in_dim3A_35 = vector.broadcast %broadcast_in_dim3A_34 : vector<512x1xi1> to vector<512x1024xi1>
    %broadcast_in_dim3A_36 = vector.shape_cast %get3A_19 : vector<1x1024xf32> to vector<1x1024xf32>
    %broadcast_in_dim3A_37 = vector.broadcast %broadcast_in_dim3A_36 : vector<1x1024xf32> to vector<512x1024xf32>
    %select_n3A_38 = arith.select %broadcast_in_dim3A_35, %broadcast_in_dim3A_37, %select_n3A : vector<512x1024xi1>, vector<512x1024xf32>
    %get3A_39 = arith.constant 0 : index
    %get3A_40 = arith.constant 0 : index
    %get3A_41 = vector.load %arg3[%get3A_39, %get3A_40] : memref<1x1024xf32, #tpu.memory_space<vmem>>, vector<1x1024xf32>
    %add3A = vector.broadcast %get3A_41 : vector<1x1024xf32> to vector<512x1024xf32>
    %add3A_42 = arith.addf %dot_general3A_8, %add3A : vector<512x1024xf32>
    %jit3A = arith.constant 0.000000e+00 : f32
    %broadcast_in_dim3A_43 = vector.shape_cast %ge3A_14 : vector<512x1xi1> to vector<512x1xi1>
    %broadcast_in_dim3A_44 = vector.broadcast %broadcast_in_dim3A_43 : vector<512x1xi1> to vector<512x1024xi1>
    %broadcast_in_dim3A_45 = vector.broadcast %jit3A : f32 to vector<512x1024xf32>
    %select_n3A_46 = arith.select %broadcast_in_dim3A_44, %select_n3A_38, %broadcast_in_dim3A_45 : vector<512x1024xi1>, vector<512x1024xf32>
    %add3A_47 = arith.addf %add3A_42, %select_n3A_46 : vector<512x1024xf32>
    %slice3A = vector.extract_strided_slice %add3A_47 {offsets = [0, 0], sizes = [512, 128], strides = [1, 1]} : vector<512x1024xf32> to vector<512x128xf32>
    %swap3A = arith.constant 0 : index
    %swap3A_48 = arith.constant 0 : index
    %swap3A_49 = arith.constant 0 : index
    %swap3A_50 = vector.load %arg5[%swap3A, %swap3A_48, %swap3A_49] : memref<8x512x128xf32, #tpu.memory_space<vmem>>, vector<1x512x128xf32>
    %swap3A_51 = vector.shape_cast %swap3A_50 : vector<1x512x128xf32> to vector<512x128xf32>
    %swap3A_52 = vector.shape_cast %slice3A : vector<512x128xf32> to vector<1x512x128xf32>
    tpu.vector_store %arg5[%swap3A, %swap3A_48, %swap3A_49], %swap3A_52 {strides = array<i32>} : memref<8x512x128xf32, #tpu.memory_space<vmem>>, vector<1x512x128xf32>,
    %slice3A_53 = vector.extract_strided_slice %add3A_47 {offsets = [0, 128], sizes = [512, 128], strides = [1, 1]} : vector<512x1024xf32> to vector<512x128xf32>
    %swap3A_54 = arith.constant 1 : index
    %swap3A_55 = arith.constant 0 : index
    %swap3A_56 = arith.constant 0 : index
    %swap3A_57 = vector.load %arg5[%swap3A_54, %swap3A_55, %swap3A_56] : memref<8x512x128xf32, #tpu.memory_space<vmem>>, vector<1x512x128xf32>
    %swap3A_58 = vector.shape_cast %swap3A_57 : vector<1x512x128xf32> to vector<512x128xf32>
    %swap3A_59 = vector.shape_cast %slice3A_53 : vector<512x128xf32> to vector<1x512x128xf32>
    tpu.vector_store %arg5[%swap3A_54, %swap3A_55, %swap3A_56], %swap3A_59 {strides = array<i32>} : memref<8x512x128xf32, #tpu.memory_space<vmem>>, vector<1x512x128xf32>,
    %slice3A_60 = vector.extract_strided_slice %add3A_47 {offsets = [0, 256], sizes = [512, 128], strides = [1, 1]} : vector<512x1024xf32> to vector<512x128xf32>
    %swap3A_61 = arith.constant 2 : index
    %swap3A_62 = arith.constant 0 : index
    %swap3A_63 = arith.constant 0 : index
    %swap3A_64 = vector.load %arg5[%swap3A_61, %swap3A_62, %swap3A_63] : memref<8x512x128xf32, #tpu.memory_space<vmem>>, vector<1x512x128xf32>
    %swap3A_65 = vector.shape_cast %swap3A_64 : vector<1x512x128xf32> to vector<512x128xf32>
    %swap3A_66 = vector.shape_cast %slice3A_60 : vector<512x128xf32> to vector<1x512x128xf32>
    tpu.vector_store %arg5[%swap3A_61, %swap3A_62, %swap3A_63], %swap3A_66 {strides = array<i32>} : memref<8x512x128xf32, #tpu.memory_space<vmem>>, vector<1x512x128xf32>,
    %slice3A_67 = vector.extract_strided_slice %add3A_47 {offsets = [0, 384], sizes = [512, 128], strides = [1, 1]} : vector<512x1024xf32> to vector<512x128xf32>
    %swap3A_68 = arith.constant 3 : index
    %swap3A_69 = arith.constant 0 : index
    %swap3A_70 = arith.constant 0 : index
    %swap3A_71 = vector.load %arg5[%swap3A_68, %swap3A_69, %swap3A_70] : memref<8x512x128xf32, #tpu.memory_space<vmem>>, vector<1x512x128xf32>
    %swap3A_72 = vector.shape_cast %swap3A_71 : vector<1x512x128xf32> to vector<512x128xf32>
    %swap3A_73 = vector.shape_cast %slice3A_67 : vector<512x128xf32> to vector<1x512x128xf32>
    tpu.vector_store %arg5[%swap3A_68, %swap3A_69, %swap3A_70], %swap3A_73 {strides = array<i32>} : memref<8x512x128xf32, #tpu.memory_space<vmem>>, vector<1x512x128xf32>,
    %slice3A_74 = vector.extract_strided_slice %add3A_47 {offsets = [0, 512], sizes = [512, 128], strides = [1, 1]} : vector<512x1024xf32> to vector<512x128xf32>
    %swap3A_75 = arith.constant 4 : index
    %swap3A_76 = arith.constant 0 : index
    %swap3A_77 = arith.constant 0 : index
    %swap3A_78 = vector.load %arg5[%swap3A_75, %swap3A_76, %swap3A_77] : memref<8x512x128xf32, #tpu.memory_space<vmem>>, vector<1x512x128xf32>
    %swap3A_79 = vector.shape_cast %swap3A_78 : vector<1x512x128xf32> to vector<512x128xf32>
    %swap3A_80 = vector.shape_cast %slice3A_74 : vector<512x128xf32> to vector<1x512x128xf32>
    tpu.vector_store %arg5[%swap3A_75, %swap3A_76, %swap3A_77], %swap3A_80 {strides = array<i32>} : memref<8x512x128xf32, #tpu.memory_space<vmem>>, vector<1x512x128xf32>,
    %slice3A_81 = vector.extract_strided_slice %add3A_47 {offsets = [0, 640], sizes = [512, 128], strides = [1, 1]} : vector<512x1024xf32> to vector<512x128xf32>
    %swap3A_82 = arith.constant 5 : index
    %swap3A_83 = arith.constant 0 : index
    %swap3A_84 = arith.constant 0 : index
    %swap3A_85 = vector.load %arg5[%swap3A_82, %swap3A_83, %swap3A_84] : memref<8x512x128xf32, #tpu.memory_space<vmem>>, vector<1x512x128xf32>
    %swap3A_86 = vector.shape_cast %swap3A_85 : vector<1x512x128xf32> to vector<512x128xf32>
    %swap3A_87 = vector.shape_cast %slice3A_81 : vector<512x128xf32> to vector<1x512x128xf32>
    tpu.vector_store %arg5[%swap3A_82, %swap3A_83, %swap3A_84], %swap3A_87 {strides = array<i32>} : memref<8x512x128xf32, #tpu.memory_space<vmem>>, vector<1x512x128xf32>,
    %slice3A_88 = vector.extract_strided_slice %add3A_47 {offsets = [0, 768], sizes = [512, 128], strides = [1, 1]} : vector<512x1024xf32> to vector<512x128xf32>
    %swap3A_89 = arith.constant 6 : index
    %swap3A_90 = arith.constant 0 : index
    %swap3A_91 = arith.constant 0 : index
    %swap3A_92 = vector.load %arg5[%swap3A_89, %swap3A_90, %swap3A_91] : memref<8x512x128xf32, #tpu.memory_space<vmem>>, vector<1x512x128xf32>
    %swap3A_93 = vector.shape_cast %swap3A_92 : vector<1x512x128xf32> to vector<512x128xf32>
    %swap3A_94 = vector.shape_cast %slice3A_88 : vector<512x128xf32> to vector<1x512x128xf32>
    tpu.vector_store %arg5[%swap3A_89, %swap3A_90, %swap3A_91], %swap3A_94 {strides = array<i32>} : memref<8x512x128xf32, #tpu.memory_space<vmem>>, vector<1x512x128xf32>,
    %slice3A_95 = vector.extract_strided_slice %add3A_47 {offsets = [0, 896], sizes = [512, 128], strides = [1, 1]} : vector<512x1024xf32> to vector<512x128xf32>
    %swap3A_96 = arith.constant 7 : index
    %swap3A_97 = arith.constant 0 : index
    %swap3A_98 = arith.constant 0 : index
    %swap3A_99 = vector.load %arg5[%swap3A_96, %swap3A_97, %swap3A_98] : memref<8x512x128xf32, #tpu.memory_space<vmem>>, vector<1x512x128xf32>
    %swap3A_100 = vector.shape_cast %swap3A_99 : vector<1x512x128xf32> to vector<512x128xf32>
    %swap3A_101 = vector.shape_cast %slice3A_95 : vector<512x128xf32> to vector<1x512x128xf32>
    tpu.vector_store %arg5[%swap3A_96, %swap3A_97, %swap3A_98], %swap3A_101 {strides = array<i32>} : memref<8x512x128xf32, #tpu.memory_space<vmem>>, vector<1x512x128xf32>,
    %get3A_102 = arith.constant 0 : index
    %get3A_103 = arith.constant 0 : index
    %get3A_104 = vector.load %arg0[%get3A_102, %get3A_103] : memref<4x8192xi32, #tpu.memory_space<vmem>>, vector<4x8192xi32>
    %get3A_105 = arith.constant 0 : index
    %get3A_106 = arith.constant 0 : index
    %get3A_107 = vector.load %arg1[%get3A_105, %get3A_106] : memref<4x8192xi32, #tpu.memory_space<vmem>>, vector<4x8192xi32>
    %get3A_108 = arith.constant dense<0> : vector<4x8192xi32>
    %get3A_109 = arith.cmpi ne, %get3A_107, %get3A_108 : vector<4x8192xi32>
    %convert_element_type3A_110 = arith.extui %get3A_109 : vector<4x8192xi1> to vector<4x8192xi32>
    %mul3A = arith.constant 256 : i32
    %mul3A_111 = vector.broadcast %mul3A : i32 to vector<4x8192xi32>
    %mul3A_112 = arith.muli %mul3A_111, %convert_element_type3A_110 : vector<4x8192xi32>
    %add3A_113 = arith.addi %get3A_104, %mul3A_112 : vector<4x8192xi32>
    %swap3A_114 = arith.constant 0 : index
    %swap3A_115 = arith.constant 0 : index
    %swap3A_116 = vector.load %arg6[%swap3A_114, %swap3A_115] : memref<4x8192xi32, #tpu.memory_space<vmem>>, vector<4x8192xi32>
    tpu.vector_store %arg6[%swap3A_114, %swap3A_115], %add3A_113 {strides = array<i32>} : memref<4x8192xi32, #tpu.memory_space<vmem>>, vector<4x8192xi32>,
    return
  }
}

</mosaic_0001>

<sc_bundles>
// kernel: kernel.4.cloned.1.call-start
scs
__scs_entry_jumppad:
0x0: {  	(pc) =	sbr.rel $0x88, $3  }
0x1: {  	(tag) =	ssettag $0x0;
	lr =	simm.s32 $0x1  }
0x2: {  	[smem:$0x3F9C] =	sst lr;
	_ =	strace $0xD0000000  }
0x3: {  	_ = 	snop  }
0x4: {  	_ = 	snop  }
0x5: {  	_ = 	snop  }
0x6: {  	_ = 	snop  }
0x7: {  	_ = 	snop  }
__scs_overlays_trampoline_lowered:
0x8: {  	[smem:$0x3FAB] =	sst s0  }
0x9: {  	[smem:$0x3FAC] =	sst s1  }
0xa: {  	[smem:$0x3FAD] =	sst s2  }
0xb: {  	[smem:$0x3FAE] =	sst s3  }
0xc: {  	[smem:$0x3FAF] =	sst s4  }
0xd: {  	[smem:$0x3FB0] =	sst s5  }
0xe: {  	[smem:$0x3FB1] =	sst s6  }
0xf: {  	[smem:$0x3FB2] =	sst s7  }
0x10: {  	[smem:$0x3FB3] =	sst s8  }
0x11: {  	[smem:$0x3FB4] =	sst s9;
	s0 =	simm.s32 @!p0 $0x0  }
0x12: {  	s1 =	sld [smem:$0x3F9A];
	s0 =	simm.s32 @p0 $0x1  }
0x13: {  	[smem:$0x3FB5] =	sst s0;
	s0 =	simm.s32 @!p1 $0x0  }
0x14: {  	s2 =	sld [smem:$0x3F99];
	s0 =	simm.s32 @p1 $0x1  }
0x15: {  	[smem:$0x3FB6] =	sst s0;
	s0 =	simm.s32 @!p2 $0x0  }
0x16: {  	s3 =	sld [smem:$0x3FDB];
	s0 =	simm.s32 @p2 $0x1  }
0x17: {  	s4 =	simm.s32 $0x1BF5;
	[smem:$0x3FB8] =	sst s0  }
0x18: {  	s0 =	sld [smem:$0x3F9B];
	_ =	swait.ge [sflag:s4], $0x0  }
0x19: {  	s7 =	sld [smem:$0x3F9C]  }
0x1a: {  	s8 =	sadd.s32 $0xFFFFE003, lr  }
0x1b: {  	s9 =	sadd.s32 $0xFFFFFEF7, lr;
	s5 =	simm.s32 $0xFFFFFFFF;
	p2 =	slt.u32 s8, $0xFFFFF086  }
0x1c: {  	p1 =	slt.u32 s9, $0xF7A;
	s5 =	simm.s32 @!p2 $0x0  }
0x1d: {  	s5 =	simm.s32 @p1 $0x1;
	p0 =	seq.s32 s7, s2  }
0x1e: {  	s7 =	smul.u32 @!p0 $0xF7A, s2;
	p2 =	seq.s32 @!p0 s5, $0x0  }
0x1f: {  	s9 =	smul.u32 $0xF7A, s1;
	s8 =	simm.s32 @!p0 $0x1BF5;
	p2 =	por !p2, p0  }
0x20: {  	[sflag:s8] =	ssyncset.s32 @!p0 $0xFFFFF086;
	s6 =	sadd.s32 @!p0 s3, s7;
	s7 =	simm.s32 @!p0 $0x108  }
0x21: {  	s3 =	sadd.s32 s3, s9;
	s6 =	sadd.s32 @!p0 $0x88, s6;
	s7 =	simm.s32 @p2 $0x1082  }
0x22: {  	[simem:s7], [sflag:s8] =	dma.local @!p0 [hbm:s6], $0xF7A  }
0x23: {  	s9 =	sor.u32 $0xD0000000, s2;
	s6 =	simm.s32 $0x108;
	_ =	swait.ge @!p0 [sflag:s8], $0x0  }
0x24: {  	s3 =	sadd.s32 $0x88, s3;
	s6 =	simm.s32 @!p1 $0x1082;
	[sflag:s4] =	ssyncset.s32 $0xFFFFF086  }
0x25: {  	[simem:s6], [sflag:s4] =	dma.local [hbm:s3], $0xF7A  }
0x26: {  	[smem:$0x3F9C] =	sst s1;
	(tag) =	ssettag s2;
	_ =	strace s9  }
0x27: {  	s1 =	sld [smem:$0x3FAC]  }
0x28: {  	s2 =	sld [smem:$0x3FAD]  }
0x29: {  	s4 =	sld [smem:$0x3FAF]  }
0x2a: {  	p0 =	seq.s32 s5, $0x0;
	s5 =	sld [smem:$0x3FB0]  }
0x2b: {  	s6 =	sld [smem:$0x3FB1]  }
0x2c: {  	s7 =	sld [smem:$0x3FB2]  }
0x2d: {  	s3 =	simm.s32 $0x108;
	s8 =	sld [smem:$0x3FB3]  }
0x2e: {  	s3 =	simm.s32 @!p0 $0x1082;
	s9 =	sld [smem:$0x3FB4]  }
0x2f: {  	lr =	sadd.s32 s0, s3;
	s0 =	sld [smem:$0x3FAB]  }
0x30: {  	s3 =	sld [smem:$0x3FAE]  }
0x31: {  	[smem:$0x3FB7] =	sst s10  }
0x32: {  	s10 =	sld [smem:$0x3FB5];
	_ =	sdelay $0x3  }
0x33: {  	p0 =	seq.s32 s10, $0x1;
	s10 =	sld [smem:$0x3FB7];
	_ =	sdelay $0x3  }
0x34: {  	[smem:$0x3FB7] =	sst s10  }
0x35: {  	s10 =	sld [smem:$0x3FB6];
	_ =	sdelay $0x3  }
0x36: {  	p1 =	seq.s32 s10, $0x1;
	s10 =	sld [smem:$0x3FB7];
	_ =	sdelay $0x3  }
0x37: {  	[smem:$0x3FB7] =	sst s10  }
0x38: {  	s10 =	sld [smem:$0x3FB8]  }
0x39: {  	_ = 	snop;
	(pc) =	sbr.ind lr, $3  }
0x3a: {  	_ = 	snop  }
0x3b: {  	_ = 	snop  }
0x3c: {  	p2 =	seq.s32 s10, $0x1;
	s10 =	sld [smem:$0x3FB7]  }
0x3d: {  	_ =	shalt  }
0x3e: {  	_ =	shalt  }
0x3f: {  	_ =	shalt  }
0x40: {  	_ =	shalt  }
0x41: {  	_ =	shalt  }
0x42: {  	_ =	shalt  }
0x43: {  	_ =	shalt  }
0x44: {  	_ =	shalt  }
0x45: {  	_ =	shalt  }
0x46: {  	_ =	shalt  }
0x47: {  	_ =	shalt  }
0x48: {  	_ =	shalt  }
0x49: {  	_ =	shalt  }
0x4a: {  	_ =	shalt  }
0x4b: {  	_ =	shalt  }
0x4c: {  	_ =	shalt  }
0x4d: {  	_ =	shalt  }
0x4e: {  	_ =	shalt  }
0x4f: {  	_ =	shalt  }
0x50: {  	_ =	shalt  }
0x51: {  	_ =	shalt  }
0x52: {  	_ =	shalt  }
0x53: {  	_ =	shalt  }
0x54: {  	_ =	shalt  }
0x55: {  	_ =	shalt  }
0x56: {  	_ =	shalt  }
0x57: {  	_ =	shalt  }
0x58: {  	_ =	shalt  }
0x59: {  	_ =	shalt  }
0x5a: {  	_ =	shalt  }
0x5b: {  	_ =	shalt  }
0x5c: {  	_ =	shalt  }
0x5d: {  	_ =	shalt  }
0x5e: {  	_ =	shalt  }
0x5f: {  	_ =	shalt  }
0x60: {  	_ =	shalt  }
0x61: {  	_ =	shalt  }
0x62: {  	_ =	shalt  }
0x63: {  	_ =	shalt  }
0x64: {  	_ =	shalt  }
0x65: {  	_ =	shalt  }
0x66: {  	_ =	shalt  }
0x67: {  	_ =	shalt  }
0x68: {  	_ =	shalt  }
0x69: {  	_ =	shalt  }
0x6a: {  	_ =	shalt  }
0x6b: {  	_ =	shalt  }
0x6c: {  	_ =	shalt  }
0x6d: {  	_ =	shalt  }
0x6e: {  	_ =	shalt  }
0x6f: {  	_ =	shalt  }
0x70: {  	_ =	shalt  }
0x71: {  	_ =	shalt  }
0x72: {  	_ =	shalt  }
0x73: {  	_ =	shalt  }
0x74: {  	_ =	shalt  }
0x75: {  	_ =	shalt  }
0x76: {  	_ =	shalt  }
0x77: {  	_ =	shalt  }
0x78: {  	_ =	shalt  }
0x79: {  	_ =	shalt  }
0x7a: {  	_ =	shalt  }
0x7b: {  	_ =	shalt  }
0x7c: {  	_ =	shalt  }
0x7d: {  	_ =	shalt  }
0x7e: {  	_ =	shalt  }
0x7f: {  	_ =	shalt  }
0x80: {  	_ =	shalt  }
0x81: {  	_ =	shalt  }
0x82: {  	_ =	shalt  }
0x83: {  	_ =	shalt  }
0x84: {  	_ =	shalt  }
0x85: {  	_ =	shalt  }
0x86: {  	_ =	shalt  }
0x87: {  	_ =	shalt  }
.Lfunc_end0:
.L_simem_size_0:
called_computation_lowered:
.L_overlay_start_0:
0x88: {  	s2 =	sld [smem:$0x3FD9]  }
0x89: {  	s3 =	sld [smem:$0x3FFE];
	_ =	sdelay $0x1  }
0x8a: {  	s1 =	srdreg.scid  }
0x8b: {  	s0 =	sand.u32 $0x1, s1  }
0x8c: {  	s17 =	sshll.u32 s0, $0xA;
	s2 =	sadd.s32 s3, s2  }
0x8d: {  	s2 =	sadd.s32 s2, s17  }
0x8e: {  	[smem:$0x3FC3] =	sst s2  }
0x8f: {  	_ = 	snop  }
0x90: {  	s2 =	sld [smem:$0x3FD0];
	(tm) =	ssettm $0x1  }
0x91: {  	s18 =	sld [smem:$0x3FFB];
	_ =	sdelay $0x3  }
0x92: {  	_ =	strace s18  }
0x93: {  	s3 =	sld [smem:$0x3FFC];
	_ =	sdelay $0x3  }
0x94: {  	_ =	strace s3  }
0x95: {  	s3 =	sld [smem:$0x3FFD];
	_ =	sdelay $0x3  }
0x96: {  	_ =	strace s3  }
0x97: {  	_ =	strace $0x8FFFFFFF  }
0x98: {  	s19 =	sld [smem:$0x3FDB];
	_ =	sdelay $0x1  }
0x99: {  	s4 =	simm.s32 $_scs_section_size  }
0x9a: {  	s5 =	simm.s32 $_size__tile_overlayer_lowered;
	s6 =	simm.s32 $_tile_overlayer_lowered  }
0x9b: {  	s22 =	simm.s32 $0x1BFF;
	s21 =	sshll.u32 s6, $0x1;
	s3 =	sadd.s32 s4, s19  }
0x9c: {  	s7 =	simm.s32 $0x0;
	s20 =	sshll.u32 s5, $0x1;
	s5 =	sadd.s32 s21, s3  }
0x9d: {  	[timem:s7], [sflag:s22] =	dma.local [hbm:s5], s20  }
0x9e: {  	_ =	swait.ge [sflag:s22], s20  }
0x9f: {  	s4 =	ssub.s32 $0x0, s20;
	[sflag:s22] =	ssyncset.done $0x0  }
0xa0: {  	[sflag:s22] =	ssyncadd.s32 s4;
	_ =	sdelay $0x1  }
0xa1: {  	s23 =	simm.s32 $0x1B8B  }
0xa2: {  	_ =	swait.ge [sflag:s23], $0x1  }
0xa3: {  	[sflag:s23] =	ssyncset.done $0x0  }
0xa4: {  	s25 =	simm.s32 $0x1B8E;
	s24 =	sld [smem:$0x3FFE];
	[sflag:s23] =	ssyncadd.s32 $0xFFFFFFFF  }
0xa5: {  	s26 =	simm.s32 $execute0_lowered;
	[smem:$0x3FD2] =	sst s25  }
0xa6: {  	s5 =	sshll.u32 s26, $0x1;
	_ =	strace $0x80000046;
	[dreg:$0x1] =	wrdreg $0xFFFFFFFF  }
0xa7: {  	s28 =	simm.s32 $_size_execute0_lowered;
	s3 =	sadd.s32 s3, s5;
	[dreg:$0x0] =	wrdreg $0x0  }
0xa8: {  	s5 =	sshll.u32 s28, $0x1;
	[dreg:$0x2] =	wrdreg s3  }
0xa9: {  	[dreg:$0x3] =	wrdreg s5  }
0xaa: {  	[dreg:$0x4] =	wrdreg $0xC0  }
0xab: {  	_ =	task [dreg:s7], $0x5FFFF  }
0xac: {  	[dreg:$0x1] =	wrdreg $0xFFFFFFFF  }
0xad: {  	[dreg:$0x0] =	wrdreg $0x60  }
0xae: {  	[dreg:$0x2] =	wrdreg s24  }
0xaf: {  	[dreg:$0x3] =	wrdreg s2  }
0xb0: {  	[dreg:$0x4] =	wrdreg $0x9  }
0xb1: {  	_ =	task.clear_ibuf [dreg:s7], $0x5FFFF;
	_ =	strace $0x90000046  }
0xb2: {  	s29 =	simm.s32 $0x9;
	_ =	strace $0x80000048  }
0xb3: {  	_ =	swait.ge [sflag:s29], $0x1  }
0xb4: {  	[sflag:s29] =	ssyncadd.s32 $0xFFFFFFFF  }
0xb5: {  	_ =	strace $0x90000048  }
0xb6: {  	_ =	sfence  }
0xb7: {  	s30 =	sld [smem:$0x0];
	_ =	sdelay $0x2  }
0xb8: {  	s31 =	sshll.u32 s1, $0xD;
	s1 =	sshrl.u32 s1, $0x2  }
0xb9: {  	s3 =	sand.u32 $0x4000, s31;
	s1 =	sadd.s32 s1, s30  }
0xba: {  	s0 =	sor.u32 s3, s0;
	s1 =	sshll.u32 s1, $0x11  }
0xbb: {  	s0 =	sor.u32 s1, s0  }
0xbc: {  	s0 =	sadd.s32 $0x8F2B, s0  }
0xbd: {  	[sflag:s0] =	ssyncadd.remote.s32 $0x1  }
0xbe: {  	_ =	sfence.sel $0xFFFF  }
0xbf: {  	[dreg:$0x0] =	wrdreg $0xFFFFFFFF;
	(pc) =	sbr.abs _section_cstart, $3  }
0xc0: {  	[dreg:$0x1] =	wrdreg $0xFFFFFFFF  }
0xc1: {  	_ =	task.clear_ibuf [dreg:s7], $0x2FFFF;
	_ =	strace $0x9FFFFFFF  }
0xc2: {  	(tm) =	ssettm $0x7FFFFFFF  }
0xc3: {  	_ =	shalt  }
tec
execute0_lowered:
.L_overlay_start_1:
0x0: {  	(tag) =	ssettag $0x1  }
0x1: {  	s4 =	rddreg [dreg:$0x0]  }
0x2: {  	s2 =	rddreg [dreg:$0x1]  }
0x3: {  	s0 =	rddreg [dreg:$0x2];
	s3 =	simm.s32 $0x0  }
0x4: {  	s1 =	stileid.u32;
	s5 =	srdreg.scid;
	s11 =	simm.s32 $0x400  }
0x5: {  	s12 =	simm.s32 $0x2000;
	s13 =	simm.s32 $0x12080;
	s14 =	simm.s32 $0x16080  }
0x6: {  	s15 =	simm.s32 $0x0;
	[smem:$0x7FF] =	sst s3;
	s5 =	sand.u32 $0x1, s5  }
0x7: {  	s6 =	sshll.u32 s1, $0xB;
	s7 =	sand.u32 $0x7, s1;
	_ =	strace $0x80000047  }
0x8: {  	s6 =	sand.u32 $0x4000, s6;
	s8 =	sshll.u32 s5, $0xD;
	s9 =	sshll.u32 s7, $0xD  }
0x9: {  	s5 =	ssub.s32 $0x2, s5;
	s6 =	sor.u32 s8, s6;
	s30 =	sadd.s32 s9, s4  }
0xa: {  	s10 =	sshrl.u32 s5, $0x1;
	s8 =	simm.s32 $0x10000;
	s31 =	sshrl.u32 s6, $0x3  }
0xb: {  	s10 =	ssub.s32 s5, s10;
	s6 =	sor.u32 s7, s6;
	s9 =	sadd.s32 s31, s4  }
0xc: {  	s4 =	sadd.s32 $0x1000, s30;
	s6 =	sshll.u32 s6, $0xA;
	s7 =	smax.u32 s10, $0x1  }
0xd: {  	s10 =	simm.s32 $0x2;
	s5 =	sadd.s32 $0x11000, s9;
	s9 =	simm.s32 $0x1  }
.LBB2_1:
0xe: {  	[tilespmem:s3], [sflag:$0x1] =	stream.linear.gather [hbm4b:s4+s3], $0x10000, $0x38;
	[tilespmem:$0x1A080] =	vst v63  }
0xf: {  	_ = 	snop  }
0x10: {  	[tilespmem:s8], [sflag:$0x2] =	stream.linear.gather [hbm4b:s5+s3], $0x2000, $0x38;
	[tilespmem:$0x1A080] =	vst v63  }
0x11: {  	_ =	swait.ge [sflag:s9], $0x10000  }
0x12: {  	[sflag:s9] =	ssyncset.done $0x0  }
0x13: {  	[sflag:s9] =	ssyncadd.s32 $0xFFFF0000  }
0x14: {  	_ =	swait.ge [sflag:s10], $0x2000  }
0x15: {  	s16 =	simm.s32 $0x10001;
	[sflag:s10] =	ssyncset.done $0x0  }
0x16: {  	s17 =	simm.s32 $0x10081;
	s18 =	simm.s32 $0x0;
	[sflag:s10] =	ssyncadd.s32 $0xFFFFE000  }
.LBB2_2:
0x17: {  	p0 =	seq.s32 s18, $0x0  }
0x18: {  	s19 =	simm.s32 @!p0 $0x1  }
0x19: {  	_ =	swait.ge @!p0 [sflag:s19], $0x4000  }
0x1a: {  	[sflag:s19] =	ssyncset.done @!p0 $0x0  }
0x1b: {  	[sflag:s19] =	ssyncadd.s32 @!p0 $0xFFFFC000  }
0x1c: {  	v0 =	vld [tilespmem:s16+$0x0];
	_ =	sdelay $0x2  }
0x1d: {  	v1 =	vld [tilespmem:s16+$0xFFFFFFFF];
	_ =	sdelay $0x1  }
0x1e: {  	(v2sf) =	vpush v0, $0x0;
	_ =	sdelay $0x2  }
0x1f: {  	(v2sf) =	vpush v1, $0x0;
	_ =	sdelay $0x7  }
0x20: {  	s20 =	sadd.s32 $0x2, s16  }
0x21: {  	v0 =	vld [tilespmem:s20+$0x0];
	_ =	sdelay $0x2  }
0x22: {  	v1 =	vld [tilespmem:s20+$0xFFFFFFFF];
	s24 =	spop (v2sf)  }
0x23: {  	s19 =	sshll.u32 s24, $0x9  }
0x24: {  	(v2sf) =	vpush v0, $0x0;
	s19 =	sshra.s32 s19, $0x2  }
0x25: {  	s21 =	spop (v2sf);
	v0 =	vld [tilespmem:s19+$0x0]  }
0x26: {  	s21 =	sshll.u32 s21, $0x9  }
0x27: {  	(v2sf) =	vpush v1, $0x0;
	s28 =	sshra.s32 s21, $0x2  }
0x28: {  	v1 =	vld [tilespmem:s28+$0x0]  }
0x29: {  	s23 =	simm.s32 $0x12100  }
0x2a: {  	[tilespmem:s23+$0x0] =	vst v0  }
0x2b: {  	v0 =	vld [tilespmem:s19+$0x10];
	_ =	sdelay $0x1  }
0x2c: {  	[tilespmem:s23+$0xFFFFFF80] =	vst v1  }
0x2d: {  	v1 =	vld [tilespmem:s28+$0x10]  }
0x2e: {  	s24 =	sadd.s32 $0x2, s20  }
0x2f: {  	[tilespmem:s23+$0x10] =	vst v0;
	v0 =	vld [tilespmem:s24+$0x0]  }
0x30: {  	v2 =	vld [tilespmem:s19+$0x20];
	_ =	sdelay $0x1  }
0x31: {  	[tilespmem:s23+$0xFFFFFF90] =	vst v1;
	v1 =	vld [tilespmem:s24+$0xFFFFFFFF];
	s25 =	spop (v2sf)  }
0x32: {  	s20 =	sshll.u32 s25, $0x9;
	v3 =	vld [tilespmem:s28+$0x20]  }
0x33: {  	s20 =	sshra.s32 s20, $0x2;
	(v2sf) =	vpush v0, $0x0  }
0x34: {  	s26 =	spop (v2sf);
	v0 =	vld [tilespmem:s20+$0x0];
	[tilespmem:s23+$0x20] =	vst v2  }
0x35: {  	s21 =	sshll.u32 s26, $0x9;
	v2 =	vld [tilespmem:s19+$0x30]  }
0x36: {  	s22 =	sshra.s32 s21, $0x2;
	(v2sf) =	vpush v1, $0x0  }
0x37: {  	v1 =	vld [tilespmem:s22+$0x0];
	[tilespmem:s23+$0xFFFFFFA0] =	vst v3  }
0x38: {  	s21 =	simm.s32 $0x12200;
	v3 =	vld [tilespmem:s28+$0x30]  }
0x39: {  	[tilespmem:s21+$0x0] =	vst v0  }
0x3a: {  	v0 =	vld [tilespmem:s20+$0x10];
	[tilespmem:s23+$0x30] =	vst v2  }
0x3b: {  	v2 =	vld [tilespmem:s19+$0x40]  }
0x3c: {  	[tilespmem:s21+$0xFFFFFF80] =	vst v1  }
0x3d: {  	v1 =	vld [tilespmem:s22+$0x10];
	[tilespmem:s23+$0xFFFFFFB0] =	vst v3  }
0x3e: {  	s30 =	sadd.s32 $0x2, s24;
	v3 =	vld [tilespmem:s28+$0x40]  }
0x3f: {  	[tilespmem:s21+$0x10] =	vst v0;
	v0 =	vld [tilespmem:s30+$0x0]  }
0x40: {  	[tilespmem:s23+$0x40] =	vst v2;
	v2 =	vld [tilespmem:s20+$0x20]  }
0x41: {  	v4 =	vld [tilespmem:s19+$0x50]  }
0x42: {  	v5 =	vld [tilespmem:s30+$0xFFFFFFFF];
	[tilespmem:s21+$0xFFFFFF90] =	vst v1;
	s31 =	spop (v2sf)  }
0x43: {  	v1 =	vld [tilespmem:s22+$0x20];
	[tilespmem:s23+$0xFFFFFFC0] =	vst v3;
	s24 =	sshll.u32 s31, $0x9  }
0x44: {  	v3 =	vld [tilespmem:s28+$0x50];
	s24 =	sshra.s32 s24, $0x2  }
0x45: {  	s25 =	spop (v2sf);
	(v2sf) =	vpush v0, $0x0;
	v6 =	vld [tilespmem:s24+$0x0];
	[tilespmem:s21+$0x20] =	vst v2  }
0x46: {  	s25 =	sshll.u32 s25, $0x9;
	v2 =	vld [tilespmem:s20+$0x30];
	[tilespmem:s23+$0x50] =	vst v4  }
0x47: {  	(v2sf) =	vpush v5, $0x0;
	s26 =	sshra.s32 s25, $0x2;
	v4 =	vld [tilespmem:s19+$0x60]  }
0x48: {  	[tilespmem:s21+$0xFFFFFFA0] =	vst v1;
	v7 =	vld [tilespmem:s26+$0x0]  }
0x49: {  	s25 =	simm.s32 $0x12300;
	v8 =	vld [tilespmem:s22+$0x30];
	[tilespmem:s23+$0xFFFFFFD0] =	vst v3  }
0x4a: {  	[tilespmem:s25+$0x0] =	vst v6;
	v6 =	vld [tilespmem:s28+$0x60]  }
0x4b: {  	[tilespmem:s21+$0x30] =	vst v2;
	v2 =	vld [tilespmem:s24+$0x10]  }
0x4c: {  	[tilespmem:s23+$0x60] =	vst v4;
	v1 =	vld [tilespmem:s20+$0x40]  }
0x4d: {  	[tilespmem:s25+$0xFFFFFF80] =	vst v7;
	v3 =	vld [tilespmem:s19+$0x70]  }
0x4e: {  	[tilespmem:s21+$0xFFFFFFB0] =	vst v8;
	v4 =	vld [tilespmem:s26+$0x10]  }
0x4f: {  	v0 =	vld [tilespmem:s22+$0x40];
	[tilespmem:s23+$0xFFFFFFE0] =	vst v6  }
0x50: {  	s29 =	simm.s32 $0x6;
	s30 =	sadd.s32 $0x2, s30;
	s19 =	sshll.u32 s18, $0x1;
	[tilespmem:s25+$0x10] =	vst v2;
	v2 =	vld [tilespmem:s28+$0x70]  }
.LBB2_3:
0x51: {  	v5 =	vld [tilespmem:s30+$0x0];
	[tilespmem:s21+$0x40] =	vst v1  }
0x52: {  	v1 =	vld [tilespmem:s24+$0x20];
	[tilespmem:s23+$0x70] =	vst v3  }
0x53: {  	[tilespmem:s25+$0xFFFFFF90] =	vst v4;
	v3 =	vld [tilespmem:s20+$0x50]  }
0x54: {  	s29 =	sadd.s32 $0x2, s29;
	v4 =	vld [tilespmem:s30+$0xFFFFFFFF];
	s28 =	spop (v2sf);
	[tilespmem:s21+$0xFFFFFFC0] =	vst v0  }
0x55: {  	p1 =	slt.u32 s29, $0x7E;
	s28 =	sshll.u32 s28, $0x9;
	v0 =	vld [tilespmem:s26+$0x20];
	[tilespmem:s23+$0xFFFFFFF0] =	vst v2;
	s23 =	smov.u32 s21  }
0x56: {  	s21 =	smov.u32 s25;
	s28 =	sshra.s32 s28, $0x2;
	s31 =	spop (v2sf);
	v2 =	vld [tilespmem:s22+$0x50]  }
0x57: {  	(v2sf) =	vpush v5, $0x0;
	s31 =	sshll.u32 s31, $0x9;
	v5 =	vld [tilespmem:s28+$0x0];
	[tilespmem:s25+$0x20] =	vst v1  }
0x58: {  	s31 =	sshra.s32 s31, $0x2;
	v1 =	vld [tilespmem:s24+$0x30];
	[tilespmem:s23+$0x50] =	vst v3  }
0x59: {  	(v2sf) =	vpush v4, $0x0;
	v3 =	vld [tilespmem:s20+$0x60]  }
0x5a: {  	v4 =	vld [tilespmem:s31+$0x0];
	[tilespmem:s25+$0xFFFFFFA0] =	vst v0  }
0x5b: {  	s25 =	sadd.s32 $0x100, s25;
	v0 =	vld [tilespmem:s26+$0x30];
	[tilespmem:s23+$0xFFFFFFD0] =	vst v2  }
0x5c: {  	[tilespmem:s25+$0x0] =	vst v5;
	v2 =	vld [tilespmem:s22+$0x60]  }
0x5d: {  	v5 =	vld [tilespmem:s28+$0x10];
	[tilespmem:s21+$0x30] =	vst v1  }
.Ltmp0:
0x5e: {  	v1 =	vld [tilespmem:s24+$0x40];
	[tilespmem:s23+$0x60] =	vst v3;
	(pc) =	sbr.rel @p1 .LBB2_3-.Ltmp0, $4  }
0x5f: {  	[tilespmem:s25+$0xFFFFFF80] =	vst v4;
	v3 =	vld [tilespmem:s20+$0x70];
	s20 =	smov.u32 s24;
	s24 =	smov.u32 s28  }
0x60: {  	v4 =	vld [tilespmem:s31+$0x10];
	[tilespmem:s21+$0xFFFFFFB0] =	vst v0  }
0x61: {  	v0 =	vld [tilespmem:s26+$0x40];
	[tilespmem:s23+$0xFFFFFFE0] =	vst v2  }
0x62: {  	s30 =	sadd.s32 $0x2, s30;
	[tilespmem:s25+$0x10] =	vst v5;
	v2 =	vld [tilespmem:s22+$0x70];
	s22 =	smov.u32 s26;
	s26 =	smov.u32 s31  }
0x63: {  	_ =	sdelay $0x3  }
0x64: {  	s28 =	spop (v2sf)  }
0x65: {  	s28 =	sshll.u32 s28, $0x9;
	s30 =	spop (v2sf)  }
0x66: {  	s29 =	sshra.s32 s28, $0x2;
	s31 =	sshll.u32 s30, $0x9  }
0x67: {  	v5 =	vld [tilespmem:s29+$0x0];
	s30 =	sshra.s32 s31, $0x2  }
0x68: {  	v6 =	vld [tilespmem:s30+$0x0];
	_ =	sdelay $0x2  }
0x69: {  	s31 =	sadd.s32 $0x100, s25  }
0x6a: {  	[tilespmem:s31+$0x0] =	vst v5  }
0x6b: {  	v5 =	vld [tilespmem:s29+$0x10];
	[tilespmem:s31+$0xFFFFFF80] =	vst v6  }
0x6c: {  	v6 =	vld [tilespmem:s30+$0x10];
	_ =	sdelay $0x1  }
0x6d: {  	v7 =	vld [tilespmem:s24+$0x20];
	[tilespmem:s25+$0xFFFFFF90] =	vst v4  }
0x6e: {  	v4 =	vld [tilespmem:s26+$0x20]  }
0x6f: {  	[tilespmem:s31+$0x10] =	vst v5  }
0x70: {  	v5 =	vld [tilespmem:s29+$0x20];
	[tilespmem:s31+$0xFFFFFF90] =	vst v6  }
0x71: {  	v6 =	vld [tilespmem:s30+$0x20]  }
0x72: {  	[tilespmem:s25+$0x20] =	vst v7  }
0x73: {  	[tilespmem:s25+$0xFFFFFFA0] =	vst v4;
	v4 =	vld [tilespmem:s24+$0x30]  }
0x74: {  	[tilespmem:s21+$0x40] =	vst v1  }
0x75: {  	[tilespmem:s31+$0x20] =	vst v5;
	v5 =	vld [tilespmem:s26+$0x30]  }
0x76: {  	[tilespmem:s31+$0xFFFFFFA0] =	vst v6;
	v6 =	vld [tilespmem:s29+$0x30]  }
0x77: {  	[tilespmem:s23+$0x70] =	vst v3;
	v1 =	vld [tilespmem:s30+$0x30]  }
0x78: {  	[tilespmem:s25+$0x30] =	vst v4  }
0x79: {  	[tilespmem:s21+$0xFFFFFFC0] =	vst v0;
	v3 =	vld [tilespmem:s24+$0x40]  }
0x7a: {  	[tilespmem:s25+$0xFFFFFFB0] =	vst v5  }
0x7b: {  	v4 =	vld [tilespmem:s26+$0x40];
	[tilespmem:s31+$0x30] =	vst v6  }
0x7c: {  	v5 =	vld [tilespmem:s29+$0x40];
	[tilespmem:s31+$0xFFFFFFB0] =	vst v1  }
0x7d: {  	[tilespmem:s23+$0xFFFFFFF0] =	vst v2;
	v0 =	vld [tilespmem:s30+$0x40]  }
0x7e: {  	v2 =	vld [tilespmem:s22+$0x50];
	[tilespmem:s25+$0x40] =	vst v3  }
0x7f: {  	v3 =	vld [tilespmem:s24+$0x50]  }
0x80: {  	v1 =	vld [tilespmem:s20+$0x50];
	[tilespmem:s25+$0xFFFFFFC0] =	vst v4  }
0x81: {  	v4 =	vld [tilespmem:s26+$0x50];
	[tilespmem:s31+$0x40] =	vst v5  }
0x82: {  	v5 =	vld [tilespmem:s29+$0x50];
	[tilespmem:s31+$0xFFFFFFC0] =	vst v0  }
0x83: {  	[tilespmem:s21+$0xFFFFFFD0] =	vst v2;
	v0 =	vld [tilespmem:s30+$0x50]  }
0x84: {  	v2 =	vld [tilespmem:s22+$0x60];
	[tilespmem:s25+$0x50] =	vst v3  }
0x85: {  	v3 =	vld [tilespmem:s24+$0x60];
	[tilespmem:s21+$0x50] =	vst v1  }
0x86: {  	v1 =	vld [tilespmem:s20+$0x60];
	[tilespmem:s25+$0xFFFFFFD0] =	vst v4  }
0x87: {  	v4 =	vld [tilespmem:s26+$0x60];
	[tilespmem:s31+$0x50] =	vst v5  }
0x88: {  	v5 =	vld [tilespmem:s29+$0x60];
	[tilespmem:s31+$0xFFFFFFD0] =	vst v0  }
0x89: {  	[tilespmem:s21+$0xFFFFFFE0] =	vst v2;
	v0 =	vld [tilespmem:s30+$0x60]  }
0x8a: {  	v2 =	vld [tilespmem:s22+$0x70];
	[tilespmem:s25+$0x60] =	vst v3  }
0x8b: {  	v3 =	vld [tilespmem:s24+$0x70];
	[tilespmem:s21+$0x60] =	vst v1  }
0x8c: {  	v1 =	vld [tilespmem:s20+$0x70];
	[tilespmem:s25+$0xFFFFFFE0] =	vst v4  }
0x8d: {  	v4 =	vld [tilespmem:s26+$0x70];
	[tilespmem:s31+$0x60] =	vst v5  }
0x8e: {  	v5 =	vld [tilespmem:s29+$0x70];
	[tilespmem:s31+$0xFFFFFFE0] =	vst v0  }
0x8f: {  	[tilespmem:s21+$0xFFFFFFF0] =	vst v2;
	v0 =	vld [tilespmem:s30+$0x70]  }
0x90: {  	[tilespmem:s25+$0x70] =	vst v3  }
0x91: {  	s24 =	sshll.u32 s18, $0x12;
	[tilespmem:s21+$0x70] =	vst v1  }
0x92: {  	s20 =	sadd.s32 s6, s24;
	[tilespmem:s25+$0xFFFFFFF0] =	vst v4  }
0x93: {  	s20 =	sshrl.u32 s20, $0x3;
	[tilespmem:s31+$0x70] =	vst v5  }
0x94: {  	s20 =	sadd.s32 s2, s20;
	[tilespmem:s31+$0xFFFFFFF0] =	vst v0  }
0x95: {  	[hbm4b:s20+s11] =	stream.strided.scatter [tilespmem:s13], [sflag:$0x1], $0x4000, s12, s11, $0x38;
	[tilespmem:$0x1A080] =	vst v63  }
0x96: {  	s20 =	simm.s32 @!p0 $0x2  }
0x97: {  	_ =	swait.ge @!p0 [sflag:s20], $0x4000  }
0x98: {  	[sflag:s20] =	ssyncset.done @!p0 $0x0  }
0x99: {  	[sflag:s20] =	ssyncadd.s32 @!p0 $0xFFFFC000  }
0x9a: {  	v0 =	vld [tilespmem:s17+$0x0];
	_ =	sdelay $0x2  }
0x9b: {  	v1 =	vld [tilespmem:s17+$0xFFFFFFFF];
	_ =	sdelay $0x1  }
0x9c: {  	(v2sf) =	vpush v0, $0x0;
	_ =	sdelay $0x2  }
0x9d: {  	(v2sf) =	vpush v1, $0x0;
	_ =	sdelay $0x7  }
0x9e: {  	s25 =	sadd.s32 $0x2, s17  }
0x9f: {  	v0 =	vld [tilespmem:s25+$0x0];
	_ =	sdelay $0x2  }
0xa0: {  	v1 =	vld [tilespmem:s25+$0xFFFFFFFF];
	s26 =	spop (v2sf)  }
0xa1: {  	s21 =	sshll.u32 s26, $0x9  }
0xa2: {  	(v2sf) =	vpush v0, $0x0;
	s29 =	sshra.s32 s21, $0x2  }
0xa3: {  	s28 =	spop (v2sf);
	v0 =	vld [tilespmem:s29+$0x0]  }
0xa4: {  	s21 =	sshll.u32 s28, $0x9  }
0xa5: {  	(v2sf) =	vpush v1, $0x0;
	s28 =	sshra.s32 s21, $0x2  }
0xa6: {  	v1 =	vld [tilespmem:s28+$0x0]  }
0xa7: {  	s23 =	simm.s32 $0x16100  }
0xa8: {  	[tilespmem:s23+$0x0] =	vst v0  }
0xa9: {  	v0 =	vld [tilespmem:s29+$0x10];
	_ =	sdelay $0x1  }
0xaa: {  	[tilespmem:s23+$0xFFFFFF80] =	vst v1  }
0xab: {  	v1 =	vld [tilespmem:s28+$0x10]  }
0xac: {  	s31 =	sadd.s32 $0x2, s25  }
0xad: {  	[tilespmem:s23+$0x10] =	vst v0;
	v0 =	vld [tilespmem:s31+$0x0]  }
0xae: {  	v2 =	vld [tilespmem:s29+$0x20];
	_ =	sdelay $0x1  }
0xaf: {  	[tilespmem:s23+$0xFFFFFF90] =	vst v1;
	v1 =	vld [tilespmem:s31+$0xFFFFFFFF];
	s22 =	spop (v2sf)  }
0xb0: {  	s20 =	sshll.u32 s22, $0x9;
	v3 =	vld [tilespmem:s28+$0x20]  }
0xb1: {  	s20 =	sshra.s32 s20, $0x2;
	(v2sf) =	vpush v0, $0x0  }
0xb2: {  	s25 =	spop (v2sf);
	v0 =	vld [tilespmem:s20+$0x0];
	[tilespmem:s23+$0x20] =	vst v2  }
0xb3: {  	s21 =	sshll.u32 s25, $0x9;
	v2 =	vld [tilespmem:s29+$0x30]  }
0xb4: {  	s22 =	sshra.s32 s21, $0x2;
	(v2sf) =	vpush v1, $0x0  }
0xb5: {  	v1 =	vld [tilespmem:s22+$0x0];
	[tilespmem:s23+$0xFFFFFFA0] =	vst v3  }
0xb6: {  	s21 =	simm.s32 $0x16200;
	v3 =	vld [tilespmem:s28+$0x30]  }
0xb7: {  	[tilespmem:s21+$0x0] =	vst v0  }
0xb8: {  	v0 =	vld [tilespmem:s20+$0x10];
	[tilespmem:s23+$0x30] =	vst v2  }
0xb9: {  	v2 =	vld [tilespmem:s29+$0x40]  }
0xba: {  	[tilespmem:s21+$0xFFFFFF80] =	vst v1  }
0xbb: {  	v1 =	vld [tilespmem:s22+$0x10];
	[tilespmem:s23+$0xFFFFFFB0] =	vst v3  }
0xbc: {  	s30 =	sadd.s32 $0x2, s31;
	v3 =	vld [tilespmem:s28+$0x40]  }
0xbd: {  	v5 =	vld [tilespmem:s30+$0x0];
	[tilespmem:s21+$0x10] =	vst v0  }
0xbe: {  	v0 =	vld [tilespmem:s20+$0x20];
	[tilespmem:s23+$0x40] =	vst v2  }
0xbf: {  	v2 =	vld [tilespmem:s29+$0x50]  }
0xc0: {  	v6 =	vld [tilespmem:s30+$0xFFFFFFFF];
	[tilespmem:s21+$0xFFFFFF90] =	vst v1;
	s26 =	spop (v2sf)  }
0xc1: {  	v1 =	vld [tilespmem:s22+$0x20];
	[tilespmem:s23+$0xFFFFFFC0] =	vst v3;
	s24 =	sshll.u32 s26, $0x9  }
0xc2: {  	v3 =	vld [tilespmem:s28+$0x50];
	s24 =	sshra.s32 s24, $0x2  }
0xc3: {  	(v2sf) =	vpush v5, $0x0;
	s31 =	spop (v2sf);
	[tilespmem:s21+$0x20] =	vst v0;
	v4 =	vld [tilespmem:s24+$0x0]  }
0xc4: {  	s25 =	sshll.u32 s31, $0x9;
	v0 =	vld [tilespmem:s20+$0x30];
	[tilespmem:s23+$0x50] =	vst v2  }
0xc5: {  	(v2sf) =	vpush v6, $0x0;
	s26 =	sshra.s32 s25, $0x2;
	v2 =	vld [tilespmem:s29+$0x60]  }
0xc6: {  	[tilespmem:s21+$0xFFFFFFA0] =	vst v1;
	v1 =	vld [tilespmem:s26+$0x0]  }
0xc7: {  	s25 =	simm.s32 $0x16300;
	[tilespmem:s23+$0xFFFFFFD0] =	vst v3;
	v3 =	vld [tilespmem:s22+$0x30]  }
0xc8: {  	v7 =	vld [tilespmem:s28+$0x60];
	[tilespmem:s25+$0x0] =	vst v4  }
0xc9: {  	[tilespmem:s21+$0x30] =	vst v0;
	v8 =	vld [tilespmem:s24+$0x10]  }
0xca: {  	v0 =	vld [tilespmem:s20+$0x40];
	[tilespmem:s23+$0x60] =	vst v2  }
0xcb: {  	[tilespmem:s25+$0xFFFFFF80] =	vst v1;
	v2 =	vld [tilespmem:s29+$0x70]  }
0xcc: {  	[tilespmem:s21+$0xFFFFFFB0] =	vst v3;
	v4 =	vld [tilespmem:s26+$0x10]  }
0xcd: {  	[tilespmem:s23+$0xFFFFFFE0] =	vst v7;
	v1 =	vld [tilespmem:s22+$0x40]  }
0xce: {  	s19 =	sor.u32 $0x1, s19;
	s30 =	sadd.s32 $0x2, s30;
	s29 =	simm.s32 $0x6;
	v3 =	vld [tilespmem:s28+$0x70];
	[tilespmem:s25+$0x10] =	vst v8  }
.LBB2_5:
0xcf: {  	v5 =	vld [tilespmem:s30+$0x0];
	[tilespmem:s21+$0x40] =	vst v0  }
0xd0: {  	v0 =	vld [tilespmem:s24+$0x20];
	[tilespmem:s23+$0x70] =	vst v2  }
0xd1: {  	[tilespmem:s25+$0xFFFFFF90] =	vst v4;
	v2 =	vld [tilespmem:s20+$0x50]  }
0xd2: {  	s29 =	sadd.s32 $0x2, s29;
	v4 =	vld [tilespmem:s30+$0xFFFFFFFF];
	s28 =	spop (v2sf);
	[tilespmem:s21+$0xFFFFFFC0] =	vst v1  }
0xd3: {  	p0 =	slt.u32 s29, $0x7E;
	s28 =	sshll.u32 s28, $0x9;
	v1 =	vld [tilespmem:s26+$0x20];
	[tilespmem:s23+$0xFFFFFFF0] =	vst v3;
	s23 =	smov.u32 s21  }
0xd4: {  	s21 =	smov.u32 s25;
	s28 =	sshra.s32 s28, $0x2;
	s31 =	spop (v2sf);
	v3 =	vld [tilespmem:s22+$0x50]  }
0xd5: {  	(v2sf) =	vpush v5, $0x0;
	s31 =	sshll.u32 s31, $0x9;
	v5 =	vld [tilespmem:s28+$0x0];
	[tilespmem:s25+$0x20] =	vst v0  }
0xd6: {  	s31 =	sshra.s32 s31, $0x2;
	v0 =	vld [tilespmem:s24+$0x30];
	[tilespmem:s23+$0x50] =	vst v2  }
0xd7: {  	(v2sf) =	vpush v4, $0x0;
	v2 =	vld [tilespmem:s20+$0x60]  }
0xd8: {  	v4 =	vld [tilespmem:s31+$0x0];
	[tilespmem:s25+$0xFFFFFFA0] =	vst v1  }
0xd9: {  	s25 =	sadd.s32 $0x100, s25;
	v1 =	vld [tilespmem:s26+$0x30];
	[tilespmem:s23+$0xFFFFFFD0] =	vst v3  }
0xda: {  	[tilespmem:s25+$0x0] =	vst v5;
	v3 =	vld [tilespmem:s22+$0x60]  }
0xdb: {  	v5 =	vld [tilespmem:s28+$0x10];
	[tilespmem:s21+$0x30] =	vst v0  }
.Ltmp1:
0xdc: {  	v0 =	vld [tilespmem:s24+$0x40];
	[tilespmem:s23+$0x60] =	vst v2;
	(pc) =	sbr.rel @p0 .LBB2_5-.Ltmp1, $4  }
0xdd: {  	[tilespmem:s25+$0xFFFFFF80] =	vst v4;
	v2 =	vld [tilespmem:s20+$0x70];
	s20 =	smov.u32 s24;
	s24 =	smov.u32 s28  }
0xde: {  	v4 =	vld [tilespmem:s31+$0x10];
	[tilespmem:s21+$0xFFFFFFB0] =	vst v1  }
0xdf: {  	v1 =	vld [tilespmem:s26+$0x40];
	[tilespmem:s23+$0xFFFFFFE0] =	vst v3  }
0xe0: {  	s30 =	sadd.s32 $0x2, s30;
	[tilespmem:s25+$0x10] =	vst v5;
	v3 =	vld [tilespmem:s22+$0x70];
	s22 =	smov.u32 s26;
	s26 =	smov.u32 s31  }
0xe1: {  	_ =	sdelay $0x3  }
0xe2: {  	s28 =	spop (v2sf)  }
0xe3: {  	s28 =	sshll.u32 s28, $0x9;
	s30 =	spop (v2sf)  }
0xe4: {  	s29 =	sshra.s32 s28, $0x2;
	s30 =	sshll.u32 s30, $0x9  }
0xe5: {  	v5 =	vld [tilespmem:s29+$0x0];
	s30 =	sshra.s32 s30, $0x2  }
0xe6: {  	v6 =	vld [tilespmem:s30+$0x0];
	_ =	sdelay $0x2  }
0xe7: {  	s31 =	sadd.s32 $0x100, s25  }
0xe8: {  	[tilespmem:s31+$0x0] =	vst v5  }
0xe9: {  	v5 =	vld [tilespmem:s29+$0x10];
	[tilespmem:s31+$0xFFFFFF80] =	vst v6  }
0xea: {  	v6 =	vld [tilespmem:s30+$0x10];
	_ =	sdelay $0x2  }
0xeb: {  	v7 =	vld [tilespmem:s24+$0x20];
	[tilespmem:s25+$0xFFFFFF90] =	vst v4  }
0xec: {  	v4 =	vld [tilespmem:s26+$0x20];
	[tilespmem:s31+$0x10] =	vst v5  }
0xed: {  	v5 =	vld [tilespmem:s29+$0x20];
	[tilespmem:s31+$0xFFFFFF90] =	vst v6  }
0xee: {  	v6 =	vld [tilespmem:s30+$0x20];
	_ =	sdelay $0x1  }
0xef: {  	[tilespmem:s25+$0x20] =	vst v7  }
0xf0: {  	v55 =	vld [tilespmem:s24+$0x30];
	[tilespmem:s25+$0xFFFFFFA0] =	vst v4  }
0xf1: {  	v56 =	vld [tilespmem:s26+$0x30];
	[tilespmem:s31+$0x20] =	vst v5  }
0xf2: {  	v57 =	vld [tilespmem:s29+$0x30];
	[tilespmem:s31+$0xFFFFFFA0] =	vst v6  }
0xf3: {  	[tilespmem:s21+$0x40] =	vst v0;
	v58 =	vld [tilespmem:s30+$0x30]  }
0xf4: {  	[tilespmem:s23+$0x70] =	vst v2  }
0xf5: {  	[tilespmem:s25+$0x30] =	vst v55  }
0xf6: {  	v59 =	vld [tilespmem:s24+$0x40];
	[tilespmem:s25+$0xFFFFFFB0] =	vst v56  }
0xf7: {  	v60 =	vld [tilespmem:s26+$0x40];
	[tilespmem:s31+$0x30] =	vst v57  }
0xf8: {  	v61 =	vld [tilespmem:s29+$0x40];
	[tilespmem:s31+$0xFFFFFFB0] =	vst v58  }
0xf9: {  	[tilespmem:s21+$0xFFFFFFC0] =	vst v1;
	v62 =	vld [tilespmem:s30+$0x40]  }
0xfa: {  	v63 =	vld [tilespmem:s20+$0x50];
	[tilespmem:s23+$0xFFFFFFF0] =	vst v3  }
0xfb: {  	v1 =	vld [tilespmem:s22+$0x50];
	[tilespmem:s25+$0x40] =	vst v59  }
0xfc: {  	v3 =	vld [tilespmem:s24+$0x50];
	[tilespmem:s25+$0xFFFFFFC0] =	vst v60  }
0xfd: {  	v4 =	vld [tilespmem:s26+$0x50];
	[tilespmem:s31+$0x40] =	vst v61  }
0xfe: {  	v5 =	vld [tilespmem:s29+$0x50];
	[tilespmem:s31+$0xFFFFFFC0] =	vst v62  }
0xff: {  	[tilespmem:s21+$0x50] =	vst v63;
	v0 =	vld [tilespmem:s30+$0x50]  }
0x100: {  	v2 =	vld [tilespmem:s20+$0x60];
	[tilespmem:s21+$0xFFFFFFD0] =	vst v1  }
0x101: {  	v1 =	vld [tilespmem:s22+$0x60];
	[tilespmem:s25+$0x50] =	vst v3  }
0x102: {  	v3 =	vld [tilespmem:s24+$0x60];
	[tilespmem:s25+$0xFFFFFFD0] =	vst v4  }
0x103: {  	v4 =	vld [tilespmem:s26+$0x60];
	[tilespmem:s31+$0x50] =	vst v5  }
0x104: {  	v5 =	vld [tilespmem:s29+$0x60];
	[tilespmem:s31+$0xFFFFFFD0] =	vst v0  }
0x105: {  	[tilespmem:s21+$0x60] =	vst v2;
	v0 =	vld [tilespmem:s30+$0x60]  }
0x106: {  	v2 =	vld [tilespmem:s20+$0x70];
	[tilespmem:s21+$0xFFFFFFE0] =	vst v1  }
0x107: {  	v1 =	vld [tilespmem:s22+$0x70];
	[tilespmem:s25+$0x60] =	vst v3  }
0x108: {  	v3 =	vld [tilespmem:s24+$0x70];
	[tilespmem:s25+$0xFFFFFFE0] =	vst v4  }
0x109: {  	v4 =	vld [tilespmem:s26+$0x70];
	[tilespmem:s31+$0x60] =	vst v5  }
0x10a: {  	v5 =	vld [tilespmem:s29+$0x70];
	[tilespmem:s31+$0xFFFFFFE0] =	vst v0  }
0x10b: {  	s18 =	sadd.s32 $0x1, s18;
	[tilespmem:s21+$0x70] =	vst v2;
	v0 =	vld [tilespmem:s30+$0x70]  }
0x10c: {  	p0 =	sne.s32 s18, $0x20;
	[tilespmem:s21+$0xFFFFFFF0] =	vst v1  }
.Ltmp2:
0x10d: {  	s19 =	sshll.u32 s19, $0x11;
	[tilespmem:s25+$0x70] =	vst v3;
	(pc) =	sbr.rel @p0 .LBB2_2-.Ltmp2, $4  }
0x10e: {  	s19 =	sadd.s32 s6, s19;
	[tilespmem:s25+$0xFFFFFFF0] =	vst v4  }
0x10f: {  	s19 =	sshrl.u32 s19, $0x3;
	[tilespmem:s31+$0x70] =	vst v5  }
0x110: {  	s16 =	sadd.s32 $0x100, s16;
	s17 =	sadd.s32 $0x100, s17;
	s19 =	sadd.s32 s2, s19;
	[tilespmem:s31+$0xFFFFFFF0] =	vst v0  }
0x111: {  	[hbm4b:s19+s11] =	stream.strided.scatter [tilespmem:s14], [sflag:$0x2], $0x4000, s12, s11, $0x38;
	[tilespmem:$0x1A080] =	vst v63  }
0x112: {  	s15 =	sadd.s32 $0x1, s15  }
0x113: {  	_ =	swait.ge [sflag:s9], $0x4000;
	p0 =	sne.s32 s15, s7  }
.Ltmp3:
0x114: {  	[sflag:s9] =	ssyncset.done $0x0;
	(pc) =	sbr.rel @p0 .LBB2_1-.Ltmp3, $4  }
0x115: {  	[sflag:s9] =	ssyncadd.s32 $0xFFFFC000  }
0x116: {  	_ =	swait.ge [sflag:s10], $0x4000  }
0x117: {  	[sflag:s10] =	ssyncset.done $0x0  }
0x118: {  	[sflag:s10] =	ssyncadd.s32 $0xFFFFC000  }
0x119: {  	_ =	sfence.sel $0x180000  }
0x11a: {  	[bflag:$0x0] =	sbarrier.arrive $0xFFFF  }
0x11b: {  	p0 =	sne.s32 s1, $0x0;
	_ =	strace $0x90000047  }
0x11c: {  	s0 =	sadd.s32 @!p0 $0x100000, s0;
	[bflag:$0x2] =	sbarrier.arrive $0xFFFF  }
0x11d: {  	[sflag:s0] =	ssyncadd.tile.s32 @!p0 $0x1;
	_ =	shalt  }
.Lfunc_end2:
_tile_overlayer_lowered:
.L_overlay_start_2:
0x11e: {  	(tag) =	ssettag $0x2  }
0x11f: {  	s0 =	rddreg [dreg:$0x0];
	s2 =	stileid.u32  }
0x120: {  	s1 =	rddreg [dreg:$0x1];
	p0 =	sne.s32 s2, $0x0  }
0x121: {  	s3 =	rddreg [dreg:$0x2];
	[bflag:$0x3] =	sbarrier.arrive $0xFFFF;
	s2 =	simm.s32 @!p0 $0x1C03  }
0x122: {  	[timem:s3], [sflag:s2] =	dma.local @!p0 [hbm:s0], s1  }
0x123: {  	s0 =	simm.s32 @!p0 $0x3  }
0x124: {  	_ =	swait.ge @!p0 [sflag:s0], s1  }
0x125: {  	s1 =	ssub.s32 @!p0 $0x0, s1;
	[sflag:s0] =	ssyncset.done @!p0 $0x0  }
0x126: {  	[sflag:s0] =	ssyncadd.s32 @!p0 s1  }
0x127: {  	[bflag:$0x3] =	sbarrier.arrive $0xFFFF  }
0x128: {  	_ =	shalt  }

</sc_bundles>
